<compile_context>
chip_gen: v7x
topology: tpu7x:2x2x1
jax: 0.10.2.dev20260603
libtpu: 0.0.44.dev20260713+nightly
codegen_flags: <defaults>
</compile_context>

<pallas_src>
import functools

import jax
import jax.numpy as jnp
from jax import lax
from jax.experimental import pallas as pl
from jax.experimental.pallas import tpu as pltpu
from jax.experimental.pallas import tpu_sc as plsc

_NUM_CORES = 2
_NUM_SUBCORES = 16
_NW = _NUM_CORES * _NUM_SUBCORES


def _make_gather(dim, batch, chunk, nbuf):
  assert batch % _NW == 0
  b_per_w = batch // _NW
  assert b_per_w % chunk == 0 and chunk % 8 == 0
  num_chunks = b_per_w // chunk
  assert num_chunks >= nbuf
  main_iters = (num_chunks - nbuf) // nbuf
  rem_lo = main_iters * nbuf
  mesh = plsc.VectorSubcoreMesh(core_axis_name="c", subcore_axis_name="s")

  @functools.partial(
      pl.kernel,
      mesh=mesh,
      out_type=jax.ShapeDtypeStruct((batch, dim), jnp.float32),
      scratch_types=[
          pltpu.VMEM((b_per_w,), jnp.int32),
          pltpu.VMEM((nbuf, chunk, dim), jnp.float32),
          [pltpu.SemaphoreType.DMA] * nbuf,
          [pltpu.SemaphoreType.DMA] * nbuf,
      ],
  )
  def gather(table_hbm, idx_hbm, out_hbm, idx_v, rows_v, sg, sw):
    wid = lax.axis_index("s") * _NUM_CORES + lax.axis_index("c")
    base = wid * b_per_w
    pltpu.sync_copy(idx_hbm.at[pl.ds(base, b_per_w)], idx_v)

    def g_issue(c, b):
      pltpu.make_async_copy(
          table_hbm.at[idx_v.at[pl.ds(c * chunk, chunk)]], rows_v.at[b], sg[b]
      ).start()

    def g_wait(b):
      pltpu.make_async_copy(
          table_hbm.at[idx_v.at[pl.ds(0, chunk)]], rows_v.at[b], sg[b]
      ).wait()

    def w_issue(c, b):
      pltpu.make_async_copy(
          rows_v.at[b], out_hbm.at[pl.ds(base + c * chunk, chunk)], sw[b]
      ).start()

    def w_wait(b):
      pltpu.make_async_copy(
          rows_v.at[b], out_hbm.at[pl.ds(base, chunk)], sw[b]
      ).wait()

    for b in range(nbuf):
      g_issue(b, b)

    def body(i, carry):
      c0 = i * nbuf
      for b in range(nbuf):
        g_wait(b)
        w_issue(c0 + b, b)
      for b in range(nbuf):
        w_wait(b)
        g_issue(c0 + nbuf + b, b)
      return carry

    lax.fori_loop(0, main_iters, body, 0)

    for c in range(rem_lo, num_chunks):
      b = c % nbuf
      g_wait(b)
      w_issue(c, b)
      if c + nbuf < num_chunks:
        w_wait(b)
        g_issue(c + nbuf, b)
    for b in range(nbuf):
      w_wait(b)

  return gather


def kernel(captions_0, captions_1, from_table, to_table):
  b0, t0 = captions_0.shape
  b1, t1 = captions_1.shape
  n0 = b0 * t0
  n1 = b1 * t1
  fd = from_table.shape[1]
  td = to_table.shape[1]

  g0 = _make_gather(fd, n0, chunk=16, nbuf=3)
  g1 = _make_gather(td, n1, chunk=8, nbuf=3)

  from_rows = g0(from_table, captions_0.reshape(n0))
  to_rows = g1(to_table, captions_1.reshape(n1))
  return (from_rows.reshape(b0, t0, fd), to_rows.reshape(b1, t1, td))

# --- scband reference (transcript-rebuilt; emitter-appended) ---
"""Pipeline reference for scband-base-model-4561255268751 (READ-ONLY COPY).

The authoritative reference and input builder live on the scoring server;
editing this copy changes nothing except your own understanding.
"""

import jax, jax.numpy as jnp
import numpy as np

FROM_VOCAB = 50272  # OPT-1.3b vocab
FROM_DIM = 2048     # OPT-1.3b hidden size
TO_VOCAB = 32000    # LLaMA vocab
TO_DIM = 4096       # LLaMA-7b hidden size
BATCH = 4096
MAX_TXT_LEN = 32


def setup_inputs(seed: int = 0) -> dict:
    key = jax.random.key(seed)
    k1, k2, k3, k4 = jax.random.split(key, 4)
    captions_0 = jax.random.randint(k1, (BATCH, MAX_TXT_LEN), 0, FROM_VOCAB, dtype=jnp.int32)
    captions_1 = jax.random.randint(k2, (BATCH, MAX_TXT_LEN), 0, TO_VOCAB, dtype=jnp.int32)
    from_table = jax.random.normal(k3, (FROM_VOCAB, FROM_DIM), dtype=jnp.float32) * 0.02
    to_table = jax.random.normal(k4, (TO_VOCAB, TO_DIM), dtype=jnp.float32) * 0.02
    return {"captions_0": captions_0, "captions_1": captions_1, "from_table": from_table, "to_table": to_table}


def reference(captions_0, captions_1, from_table, to_table):
    # mode == 'opt_to_llama' since 'opt' in from_wrd_model:
    #   from_embeds = from_word_embed_data(captions[0])  -> opt table gather
    #   to_embeds   = to_word_embed_data(captions[1])    -> llama table gather
    from_embeds = jnp.take(from_table, captions_0, axis=0)
    to_embeds = jnp.take(to_table, captions_1, axis=0)
    return (from_embeds, to_embeds)

if __name__ == "__main__":
    import jax
    _d = setup_inputs()
    print(jax.jit(kernel)(*tuple(_d.values())))

</pallas_src>

<mosaic_0001>
#map = affine_map<(d0, d1) -> (0, 0)>
#map1 = affine_map<(d0, d1) -> (0)>
module attributes {stable_mosaic.version = 14 : i64} {
  func.func @gather(%arg0: i32, %arg1: i32, %arg2: memref<50272x2048xf32, #tpu.memory_space<hbm>>, %arg3: memref<131072xi32, #tpu.memory_space<hbm>>, %arg4: memref<131072x2048xf32, #tpu.memory_space<hbm>>, %arg5: memref<4096xi32, #tpu.memory_space<vmem>>, %arg6: memref<3x16x2048xf32, #tpu.memory_space<vmem>>, %arg7: memref<!tpu.dma_semaphore, #tpu.memory_space<semaphore_mem>>, %arg8: memref<!tpu.dma_semaphore, #tpu.memory_space<semaphore_mem>>, %arg9: memref<!tpu.dma_semaphore, #tpu.memory_space<semaphore_mem>>, %arg10: memref<!tpu.dma_semaphore, #tpu.memory_space<semaphore_mem>>, %arg11: memref<!tpu.dma_semaphore, #tpu.memory_space<semaphore_mem>>, %arg12: memref<!tpu.dma_semaphore, #tpu.memory_space<semaphore_mem>>) attributes {dimension_semantics = [#tpu.dimension_semantics<core_parallel>, #tpu.dimension_semantics<subcore_parallel>], iteration_bounds = array<i64: 2, 16>, scalar_prefetch = 0 : i64, scratch_operands = 8 : i64, tpu.core_type = #tpu.core_type<sc_vector_subcore>, window_params = [{transform_indices = #map}, {transform_indices = #map1}, {transform_indices = #map}]} {
    %mul3A = arith.constant 2 : i32
    %mul3A_0 = arith.muli %arg1, %mul3A : i32
    %add3A = arith.addi %mul3A_0, %arg0 : i32
    %mul3A_1 = arith.constant 4096 : i32
    %mul3A_2 = arith.muli %add3A, %mul3A_1 : i32
    "tpu.region"() ({
      %run_scoped3A = tpu.sem_alloc : memref<!tpu.dma_semaphore, #tpu.memory_space<semaphore_mem>>
      %dma_start3A_198 = tpu.memref_slice %arg3[%mul3A_2] : memref<131072xi32, #tpu.memory_space<hbm>> -> memref<4096xi32, #tpu.memory_space<hbm>>
      %dma_start3A_199 = tpu.memref_slice %arg3[%mul3A_2] : memref<131072xi32, #tpu.memory_space<hbm>> -> memref<4096xi32, #tpu.memory_space<hbm>>
      tpu.enqueue_dma source(%dma_start3A_199 : memref<4096xi32, #tpu.memory_space<hbm>>) target(%arg5 : memref<4096xi32, #tpu.memory_space<vmem>>) target_semaphore(%run_scoped3A : memref<!tpu.dma_semaphore, #tpu.memory_space<semaphore_mem>>)
      %dma_wait3A_200 = tpu.memref_slice %arg3[%mul3A_2] : memref<131072xi32, #tpu.memory_space<hbm>> -> memref<4096xi32, #tpu.memory_space<hbm>>
      %dma_wait3A_201 = tpu.memref_slice %arg3[%mul3A_2] : memref<131072xi32, #tpu.memory_space<hbm>> -> memref<4096xi32, #tpu.memory_space<hbm>>
      tpu.wait_dma2 semaphore(%run_scoped3A : memref<!tpu.dma_semaphore, #tpu.memory_space<semaphore_mem>>) src(%dma_wait3A_201 : memref<4096xi32, #tpu.memory_space<hbm>>) dst(%arg5 : memref<4096xi32, #tpu.memory_space<vmem>>)
      tpu.yield
    }) : () -> ()
    %dma_start3A = arith.constant 0 : i32
    %dma_start3A_3 = arith.constant 0 : i32
    %dma_start3A_4 = arith.constant 0 : i32
    %dma_start3A_5 = tpu.memref_slice %arg6[%dma_start3A, %dma_start3A_3, %dma_start3A_4] : memref<3x16x2048xf32, #tpu.memory_space<vmem>> -> memref<1x16x2048xf32, #tpu.memory_space<vmem>>
    %dma_start3A_6 = tpu.memref_squeeze %dma_start3A_5 : memref<1x16x2048xf32, #tpu.memory_space<vmem>> -> memref<16x2048xf32, #tpu.memory_space<vmem>>
    %dma_start3A_7 = arith.constant 0 : i32
    %dma_start3A_8 = tpu.memref_slice %arg5[%dma_start3A_7] : memref<4096xi32, #tpu.memory_space<vmem>> -> memref<16xi32, #tpu.memory_space<vmem>>
    %dma_start3A_9 = arith.constant 0 : i32
    %dma_start3A_10 = arith.constant 0 : i32
    %dma_start3A_11 = tpu.memref_slice %arg2[%dma_start3A_9, %dma_start3A_10] : memref<50272x2048xf32, #tpu.memory_space<hbm>> -> memref<50272x2048xf32, #tpu.memory_space<hbm>>
    tpu.enqueue_indirect_dma source(%dma_start3A_11 : memref<50272x2048xf32, #tpu.memory_space<hbm>>) target(%dma_start3A_6 : memref<16x2048xf32, #tpu.memory_space<vmem>>) offsets(%dma_start3A_8 : memref<16xi32, #tpu.memory_space<vmem>>) semaphore(%arg7 : memref<!tpu.dma_semaphore, #tpu.memory_space<semaphore_mem>>)
    %dma_start3A_12 = arith.constant 1 : i32
    %dma_start3A_13 = arith.constant 0 : i32
    %dma_start3A_14 = arith.constant 0 : i32
    %dma_start3A_15 = tpu.memref_slice %arg6[%dma_start3A_12, %dma_start3A_13, %dma_start3A_14] : memref<3x16x2048xf32, #tpu.memory_space<vmem>> -> memref<1x16x2048xf32, #tpu.memory_space<vmem>>
    %dma_start3A_16 = tpu.memref_squeeze %dma_start3A_15 : memref<1x16x2048xf32, #tpu.memory_space<vmem>> -> memref<16x2048xf32, #tpu.memory_space<vmem>>
    %dma_start3A_17 = arith.constant 16 : i32
    %dma_start3A_18 = tpu.memref_slice %arg5[%dma_start3A_17] : memref<4096xi32, #tpu.memory_space<vmem>> -> memref<16xi32, #tpu.memory_space<vmem>>
    %dma_start3A_19 = arith.constant 0 : i32
    %dma_start3A_20 = arith.constant 0 : i32
    %dma_start3A_21 = tpu.memref_slice %arg2[%dma_start3A_19, %dma_start3A_20] : memref<50272x2048xf32, #tpu.memory_space<hbm>> -> memref<50272x2048xf32, #tpu.memory_space<hbm>>
    tpu.enqueue_indirect_dma source(%dma_start3A_21 : memref<50272x2048xf32, #tpu.memory_space<hbm>>) target(%dma_start3A_16 : memref<16x2048xf32, #tpu.memory_space<vmem>>) offsets(%dma_start3A_18 : memref<16xi32, #tpu.memory_space<vmem>>) semaphore(%arg8 : memref<!tpu.dma_semaphore, #tpu.memory_space<semaphore_mem>>)
    %dma_start3A_22 = arith.constant 2 : i32
    %dma_start3A_23 = arith.constant 0 : i32
    %dma_start3A_24 = arith.constant 0 : i32
    %dma_start3A_25 = tpu.memref_slice %arg6[%dma_start3A_22, %dma_start3A_23, %dma_start3A_24] : memref<3x16x2048xf32, #tpu.memory_space<vmem>> -> memref<1x16x2048xf32, #tpu.memory_space<vmem>>
    %dma_start3A_26 = tpu.memref_squeeze %dma_start3A_25 : memref<1x16x2048xf32, #tpu.memory_space<vmem>> -> memref<16x2048xf32, #tpu.memory_space<vmem>>
    %dma_start3A_27 = arith.constant 32 : i32
    %dma_start3A_28 = tpu.memref_slice %arg5[%dma_start3A_27] : memref<4096xi32, #tpu.memory_space<vmem>> -> memref<16xi32, #tpu.memory_space<vmem>>
    %dma_start3A_29 = arith.constant 0 : i32
    %dma_start3A_30 = arith.constant 0 : i32
    %dma_start3A_31 = tpu.memref_slice %arg2[%dma_start3A_29, %dma_start3A_30] : memref<50272x2048xf32, #tpu.memory_space<hbm>> -> memref<50272x2048xf32, #tpu.memory_space<hbm>>
    tpu.enqueue_indirect_dma source(%dma_start3A_31 : memref<50272x2048xf32, #tpu.memory_space<hbm>>) target(%dma_start3A_26 : memref<16x2048xf32, #tpu.memory_space<vmem>>) offsets(%dma_start3A_28 : memref<16xi32, #tpu.memory_space<vmem>>) semaphore(%arg9 : memref<!tpu.dma_semaphore, #tpu.memory_space<semaphore_mem>>)
    %scan3A = arith.constant 0 : i32
    %scan3A_32 = arith.constant 0 : i32
    %scan3A_33 = arith.constant 84 : i32
    %scan3A_34 = arith.addi %scan3A_32, %scan3A_33 : i32
    %scan3A_35 = arith.constant 1 : i32
    scf.for %scan3A_198 = %scan3A_32 to %scan3A_34 step %scan3A_35  : i32 {
      %mul3A_199 = arith.constant 3 : i32
      %mul3A_200 = arith.muli %scan3A_198, %mul3A_199 : i32
      %dma_wait3A_201 = arith.constant 0 : i32
      %dma_wait3A_202 = arith.constant 0 : i32
      %dma_wait3A_203 = arith.constant 0 : i32
      %dma_wait3A_204 = tpu.memref_slice %arg6[%dma_wait3A_201, %dma_wait3A_202, %dma_wait3A_203] : memref<3x16x2048xf32, #tpu.memory_space<vmem>> -> memref<1x16x2048xf32, #tpu.memory_space<vmem>>
      %dma_wait3A_205 = tpu.memref_squeeze %dma_wait3A_204 : memref<1x16x2048xf32, #tpu.memory_space<vmem>> -> memref<16x2048xf32, #tpu.memory_space<vmem>>
      %dma_wait3A_206 = arith.constant 0 : i32
      %dma_wait3A_207 = tpu.memref_slice %arg5[%dma_wait3A_206] : memref<4096xi32, #tpu.memory_space<vmem>> -> memref<16xi32, #tpu.memory_space<vmem>>
      %dma_wait3A_208 = arith.constant 0 : i32
      %dma_wait3A_209 = arith.constant 0 : i32
      %dma_wait3A_210 = tpu.memref_slice %arg2[%dma_wait3A_208, %dma_wait3A_209] : memref<50272x2048xf32, #tpu.memory_space<hbm>> -> memref<50272x2048xf32, #tpu.memory_space<hbm>>
      tpu.wait_indirect_dma semaphore(%arg7 : memref<!tpu.dma_semaphore, #tpu.memory_space<semaphore_mem>>) src(%dma_wait3A_210 : memref<50272x2048xf32, #tpu.memory_space<hbm>>) dst(%dma_wait3A_205 : memref<16x2048xf32, #tpu.memory_space<vmem>>)
      %add3A_211 = arith.constant 0 : i32
      %add3A_212 = arith.addi %mul3A_200, %add3A_211 : i32
      %mul3A_213 = arith.constant 16 : i32
      %mul3A_214 = arith.muli %add3A_212, %mul3A_213 : i32
      %add3A_215 = arith.addi %mul3A_2, %mul3A_214 : i32
      %dma_start3A_216 = arith.constant 0 : i32
      %dma_start3A_217 = arith.constant 0 : i32
      %dma_start3A_218 = arith.constant 0 : i32
      %dma_start3A_219 = tpu.memref_slice %arg6[%dma_start3A_216, %dma_start3A_217, %dma_start3A_218] : memref<3x16x2048xf32, #tpu.memory_space<vmem>> -> memref<1x16x2048xf32, #tpu.memory_space<vmem>>
      %dma_start3A_220 = tpu.memref_squeeze %dma_start3A_219 : memref<1x16x2048xf32, #tpu.memory_space<vmem>> -> memref<16x2048xf32, #tpu.memory_space<vmem>>
      %dma_start3A_221 = arith.constant 0 : i32
      %dma_start3A_222 = tpu.memref_slice %arg4[%add3A_215, %dma_start3A_221] : memref<131072x2048xf32, #tpu.memory_space<hbm>> -> memref<16x2048xf32, #tpu.memory_space<hbm>>
      %dma_start3A_223 = arith.constant 0 : i32
      %dma_start3A_224 = tpu.memref_slice %arg4[%add3A_215, %dma_start3A_223] : memref<131072x2048xf32, #tpu.memory_space<hbm>> -> memref<16x2048xf32, #tpu.memory_space<hbm>>
      %dma_start3A_225 = arith.constant 0 : i32
      %dma_start3A_226 = arith.constant 0 : i32
      %dma_start3A_227 = tpu.memref_slice %arg6[%dma_start3A_216, %dma_start3A_225, %dma_start3A_226] : memref<3x16x2048xf32, #tpu.memory_space<vmem>> -> memref<1x16x2048xf32, #tpu.memory_space<vmem>>
      %dma_start3A_228 = tpu.memref_squeeze %dma_start3A_227 : memref<1x16x2048xf32, #tpu.memory_space<vmem>> -> memref<16x2048xf32, #tpu.memory_space<vmem>>
      tpu.enqueue_dma source(%dma_start3A_228 : memref<16x2048xf32, #tpu.memory_space<vmem>>) target(%dma_start3A_224 : memref<16x2048xf32, #tpu.memory_space<hbm>>) target_semaphore(%arg10 : memref<!tpu.dma_semaphore, #tpu.memory_space<semaphore_mem>>)
      %dma_wait3A_229 = arith.constant 1 : i32
      %dma_wait3A_230 = arith.constant 0 : i32
      %dma_wait3A_231 = arith.constant 0 : i32
      %dma_wait3A_232 = tpu.memref_slice %arg6[%dma_wait3A_229, %dma_wait3A_230, %dma_wait3A_231] : memref<3x16x2048xf32, #tpu.memory_space<vmem>> -> memref<1x16x2048xf32, #tpu.memory_space<vmem>>
      %dma_wait3A_233 = tpu.memref_squeeze %dma_wait3A_232 : memref<1x16x2048xf32, #tpu.memory_space<vmem>> -> memref<16x2048xf32, #tpu.memory_space<vmem>>
      %dma_wait3A_234 = arith.constant 0 : i32
      %dma_wait3A_235 = tpu.memref_slice %arg5[%dma_wait3A_234] : memref<4096xi32, #tpu.memory_space<vmem>> -> memref<16xi32, #tpu.memory_space<vmem>>
      %dma_wait3A_236 = arith.constant 0 : i32
      %dma_wait3A_237 = arith.constant 0 : i32
      %dma_wait3A_238 = tpu.memref_slice %arg2[%dma_wait3A_236, %dma_wait3A_237] : memref<50272x2048xf32, #tpu.memory_space<hbm>> -> memref<50272x2048xf32, #tpu.memory_space<hbm>>
      tpu.wait_indirect_dma semaphore(%arg8 : memref<!tpu.dma_semaphore, #tpu.memory_space<semaphore_mem>>) src(%dma_wait3A_238 : memref<50272x2048xf32, #tpu.memory_space<hbm>>) dst(%dma_wait3A_233 : memref<16x2048xf32, #tpu.memory_space<vmem>>)
      %add3A_239 = arith.constant 1 : i32
      %add3A_240 = arith.addi %mul3A_200, %add3A_239 : i32
      %mul3A_241 = arith.constant 16 : i32
      %mul3A_242 = arith.muli %add3A_240, %mul3A_241 : i32
      %add3A_243 = arith.addi %mul3A_2, %mul3A_242 : i32
      %dma_start3A_244 = arith.constant 1 : i32
      %dma_start3A_245 = arith.constant 0 : i32
      %dma_start3A_246 = arith.constant 0 : i32
      %dma_start3A_247 = tpu.memref_slice %arg6[%dma_start3A_244, %dma_start3A_245, %dma_start3A_246] : memref<3x16x2048xf32, #tpu.memory_space<vmem>> -> memref<1x16x2048xf32, #tpu.memory_space<vmem>>
      %dma_start3A_248 = tpu.memref_squeeze %dma_start3A_247 : memref<1x16x2048xf32, #tpu.memory_space<vmem>> -> memref<16x2048xf32, #tpu.memory_space<vmem>>
      %dma_start3A_249 = arith.constant 0 : i32
      %dma_start3A_250 = tpu.memref_slice %arg4[%add3A_243, %dma_start3A_249] : memref<131072x2048xf32, #tpu.memory_space<hbm>> -> memref<16x2048xf32, #tpu.memory_space<hbm>>
      %dma_start3A_251 = arith.constant 0 : i32
      %dma_start3A_252 = tpu.memref_slice %arg4[%add3A_243, %dma_start3A_251] : memref<131072x2048xf32, #tpu.memory_space<hbm>> -> memref<16x2048xf32, #tpu.memory_space<hbm>>
      %dma_start3A_253 = arith.constant 0 : i32
      %dma_start3A_254 = arith.constant 0 : i32
      %dma_start3A_255 = tpu.memref_slice %arg6[%dma_start3A_244, %dma_start3A_253, %dma_start3A_254] : memref<3x16x2048xf32, #tpu.memory_space<vmem>> -> memref<1x16x2048xf32, #tpu.memory_space<vmem>>
      %dma_start3A_256 = tpu.memref_squeeze %dma_start3A_255 : memref<1x16x2048xf32, #tpu.memory_space<vmem>> -> memref<16x2048xf32, #tpu.memory_space<vmem>>
      tpu.enqueue_dma source(%dma_start3A_256 : memref<16x2048xf32, #tpu.memory_space<vmem>>) target(%dma_start3A_252 : memref<16x2048xf32, #tpu.memory_space<hbm>>) target_semaphore(%arg11 : memref<!tpu.dma_semaphore, #tpu.memory_space<semaphore_mem>>)
      %dma_wait3A_257 = arith.constant 2 : i32
      %dma_wait3A_258 = arith.constant 0 : i32
      %dma_wait3A_259 = arith.constant 0 : i32
      %dma_wait3A_260 = tpu.memref_slice %arg6[%dma_wait3A_257, %dma_wait3A_258, %dma_wait3A_259] : memref<3x16x2048xf32, #tpu.memory_space<vmem>> -> memref<1x16x2048xf32, #tpu.memory_space<vmem>>
      %dma_wait3A_261 = tpu.memref_squeeze %dma_wait3A_260 : memref<1x16x2048xf32, #tpu.memory_space<vmem>> -> memref<16x2048xf32, #tpu.memory_space<vmem>>
      %dma_wait3A_262 = arith.constant 0 : i32
      %dma_wait3A_263 = tpu.memref_slice %arg5[%dma_wait3A_262] : memref<4096xi32, #tpu.memory_space<vmem>> -> memref<16xi32, #tpu.memory_space<vmem>>
      %dma_wait3A_264 = arith.constant 0 : i32
      %dma_wait3A_265 = arith.constant 0 : i32
      %dma_wait3A_266 = tpu.memref_slice %arg2[%dma_wait3A_264, %dma_wait3A_265] : memref<50272x2048xf32, #tpu.memory_space<hbm>> -> memref<50272x2048xf32, #tpu.memory_space<hbm>>
      tpu.wait_indirect_dma semaphore(%arg9 : memref<!tpu.dma_semaphore, #tpu.memory_space<semaphore_mem>>) src(%dma_wait3A_266 : memref<50272x2048xf32, #tpu.memory_space<hbm>>) dst(%dma_wait3A_261 : memref<16x2048xf32, #tpu.memory_space<vmem>>)
      %add3A_267 = arith.constant 2 : i32
      %add3A_268 = arith.addi %mul3A_200, %add3A_267 : i32
      %mul3A_269 = arith.constant 16 : i32
      %mul3A_270 = arith.muli %add3A_268, %mul3A_269 : i32
      %add3A_271 = arith.addi %mul3A_2, %mul3A_270 : i32
      %dma_start3A_272 = arith.constant 2 : i32
      %dma_start3A_273 = arith.constant 0 : i32
      %dma_start3A_274 = arith.constant 0 : i32
      %dma_start3A_275 = tpu.memref_slice %arg6[%dma_start3A_272, %dma_start3A_273, %dma_start3A_274] : memref<3x16x2048xf32, #tpu.memory_space<vmem>> -> memref<1x16x2048xf32, #tpu.memory_space<vmem>>
      %dma_start3A_276 = tpu.memref_squeeze %dma_start3A_275 : memref<1x16x2048xf32, #tpu.memory_space<vmem>> -> memref<16x2048xf32, #tpu.memory_space<vmem>>
      %dma_start3A_277 = arith.constant 0 : i32
      %dma_start3A_278 = tpu.memref_slice %arg4[%add3A_271, %dma_start3A_277] : memref<131072x2048xf32, #tpu.memory_space<hbm>> -> memref<16x2048xf32, #tpu.memory_space<hbm>>
      %dma_start3A_279 = arith.constant 0 : i32
      %dma_start3A_280 = tpu.memref_slice %arg4[%add3A_271, %dma_start3A_279] : memref<131072x2048xf32, #tpu.memory_space<hbm>> -> memref<16x2048xf32, #tpu.memory_space<hbm>>
      %dma_start3A_281 = arith.constant 0 : i32
      %dma_start3A_282 = arith.constant 0 : i32
      %dma_start3A_283 = tpu.memref_slice %arg6[%dma_start3A_272, %dma_start3A_281, %dma_start3A_282] : memref<3x16x2048xf32, #tpu.memory_space<vmem>> -> memref<1x16x2048xf32, #tpu.memory_space<vmem>>
      %dma_start3A_284 = tpu.memref_squeeze %dma_start3A_283 : memref<1x16x2048xf32, #tpu.memory_space<vmem>> -> memref<16x2048xf32, #tpu.memory_space<vmem>>
      tpu.enqueue_dma source(%dma_start3A_284 : memref<16x2048xf32, #tpu.memory_space<vmem>>) target(%dma_start3A_280 : memref<16x2048xf32, #tpu.memory_space<hbm>>) target_semaphore(%arg12 : memref<!tpu.dma_semaphore, #tpu.memory_space<semaphore_mem>>)
      %dma_wait3A_285 = arith.constant 0 : i32
      %dma_wait3A_286 = arith.constant 0 : i32
      %dma_wait3A_287 = arith.constant 0 : i32
      %dma_wait3A_288 = tpu.memref_slice %arg6[%dma_wait3A_285, %dma_wait3A_286, %dma_wait3A_287] : memref<3x16x2048xf32, #tpu.memory_space<vmem>> -> memref<1x16x2048xf32, #tpu.memory_space<vmem>>
      %dma_wait3A_289 = tpu.memref_squeeze %dma_wait3A_288 : memref<1x16x2048xf32, #tpu.memory_space<vmem>> -> memref<16x2048xf32, #tpu.memory_space<vmem>>
      %dma_wait3A_290 = arith.constant 0 : i32
      %dma_wait3A_291 = tpu.memref_slice %arg4[%mul3A_2, %dma_wait3A_290] : memref<131072x2048xf32, #tpu.memory_space<hbm>> -> memref<16x2048xf32, #tpu.memory_space<hbm>>
      %dma_wait3A_292 = arith.constant 0 : i32
      %dma_wait3A_293 = tpu.memref_slice %arg4[%mul3A_2, %dma_wait3A_292] : memref<131072x2048xf32, #tpu.memory_space<hbm>> -> memref<16x2048xf32, #tpu.memory_space<hbm>>
      %dma_wait3A_294 = arith.constant 0 : i32
      %dma_wait3A_295 = arith.constant 0 : i32
      %dma_wait3A_296 = tpu.memref_slice %arg6[%dma_wait3A_285, %dma_wait3A_294, %dma_wait3A_295] : memref<3x16x2048xf32, #tpu.memory_space<vmem>> -> memref<1x16x2048xf32, #tpu.memory_space<vmem>>
      %dma_wait3A_297 = tpu.memref_squeeze %dma_wait3A_296 : memref<1x16x2048xf32, #tpu.memory_space<vmem>> -> memref<16x2048xf32, #tpu.memory_space<vmem>>
      tpu.wait_dma2 semaphore(%arg10 : memref<!tpu.dma_semaphore, #tpu.memory_space<semaphore_mem>>) src(%dma_wait3A_297 : memref<16x2048xf32, #tpu.memory_space<vmem>>) dst(%dma_wait3A_293 : memref<16x2048xf32, #tpu.memory_space<hbm>>)
      %add3A_298 = arith.constant 3 : i32
      %add3A_299 = arith.addi %mul3A_200, %add3A_298 : i32
      %add3A_300 = arith.constant 0 : i32
      %add3A_301 = arith.addi %add3A_299, %add3A_300 : i32
      %mul3A_302 = arith.constant 16 : i32
      %mul3A_303 = arith.muli %add3A_301, %mul3A_302 : i32
      %dma_start3A_304 = arith.constant 0 : i32
      %dma_start3A_305 = arith.constant 0 : i32
      %dma_start3A_306 = arith.constant 0 : i32
      %dma_start3A_307 = tpu.memref_slice %arg6[%dma_start3A_304, %dma_start3A_305, %dma_start3A_306] : memref<3x16x2048xf32, #tpu.memory_space<vmem>> -> memref<1x16x2048xf32, #tpu.memory_space<vmem>>
      %dma_start3A_308 = tpu.memref_squeeze %dma_start3A_307 : memref<1x16x2048xf32, #tpu.memory_space<vmem>> -> memref<16x2048xf32, #tpu.memory_space<vmem>>
      %dma_start3A_309 = tpu.memref_slice %arg5[%mul3A_303] : memref<4096xi32, #tpu.memory_space<vmem>> -> memref<16xi32, #tpu.memory_space<vmem>>
      %dma_start3A_310 = arith.constant 0 : i32
      %dma_start3A_311 = arith.constant 0 : i32
      %dma_start3A_312 = tpu.memref_slice %arg2[%dma_start3A_310, %dma_start3A_311] : memref<50272x2048xf32, #tpu.memory_space<hbm>> -> memref<50272x2048xf32, #tpu.memory_space<hbm>>
      tpu.enqueue_indirect_dma source(%dma_start3A_312 : memref<50272x2048xf32, #tpu.memory_space<hbm>>) target(%dma_start3A_308 : memref<16x2048xf32, #tpu.memory_space<vmem>>) offsets(%dma_start3A_309 : memref<16xi32, #tpu.memory_space<vmem>>) semaphore(%arg7 : memref<!tpu.dma_semaphore, #tpu.memory_space<semaphore_mem>>)
      %dma_wait3A_313 = arith.constant 1 : i32
      %dma_wait3A_314 = arith.constant 0 : i32
      %dma_wait3A_315 = arith.constant 0 : i32
      %dma_wait3A_316 = tpu.memref_slice %arg6[%dma_wait3A_313, %dma_wait3A_314, %dma_wait3A_315] : memref<3x16x2048xf32, #tpu.memory_space<vmem>> -> memref<1x16x2048xf32, #tpu.memory_space<vmem>>
      %dma_wait3A_317 = tpu.memref_squeeze %dma_wait3A_316 : memref<1x16x2048xf32, #tpu.memory_space<vmem>> -> memref<16x2048xf32, #tpu.memory_space<vmem>>
      %dma_wait3A_318 = arith.constant 0 : i32
      %dma_wait3A_319 = tpu.memref_slice %arg4[%mul3A_2, %dma_wait3A_318] : memref<131072x2048xf32, #tpu.memory_space<hbm>> -> memref<16x2048xf32, #tpu.memory_space<hbm>>
      %dma_wait3A_320 = arith.constant 0 : i32
      %dma_wait3A_321 = tpu.memref_slice %arg4[%mul3A_2, %dma_wait3A_320] : memref<131072x2048xf32, #tpu.memory_space<hbm>> -> memref<16x2048xf32, #tpu.memory_space<hbm>>
      %dma_wait3A_322 = arith.constant 0 : i32
      %dma_wait3A_323 = arith.constant 0 : i32
      %dma_wait3A_324 = tpu.memref_slice %arg6[%dma_wait3A_313, %dma_wait3A_322, %dma_wait3A_323] : memref<3x16x2048xf32, #tpu.memory_space<vmem>> -> memref<1x16x2048xf32, #tpu.memory_space<vmem>>
      %dma_wait3A_325 = tpu.memref_squeeze %dma_wait3A_324 : memref<1x16x2048xf32, #tpu.memory_space<vmem>> -> memref<16x2048xf32, #tpu.memory_space<vmem>>
      tpu.wait_dma2 semaphore(%arg11 : memref<!tpu.dma_semaphore, #tpu.memory_space<semaphore_mem>>) src(%dma_wait3A_325 : memref<16x2048xf32, #tpu.memory_space<vmem>>) dst(%dma_wait3A_321 : memref<16x2048xf32, #tpu.memory_space<hbm>>)
      %add3A_326 = arith.constant 3 : i32
      %add3A_327 = arith.addi %mul3A_200, %add3A_326 : i32
      %add3A_328 = arith.constant 1 : i32
      %add3A_329 = arith.addi %add3A_327, %add3A_328 : i32
      %mul3A_330 = arith.constant 16 : i32
      %mul3A_331 = arith.muli %add3A_329, %mul3A_330 : i32
      %dma_start3A_332 = arith.constant 1 : i32
      %dma_start3A_333 = arith.constant 0 : i32
      %dma_start3A_334 = arith.constant 0 : i32
      %dma_start3A_335 = tpu.memref_slice %arg6[%dma_start3A_332, %dma_start3A_333, %dma_start3A_334] : memref<3x16x2048xf32, #tpu.memory_space<vmem>> -> memref<1x16x2048xf32, #tpu.memory_space<vmem>>
      %dma_start3A_336 = tpu.memref_squeeze %dma_start3A_335 : memref<1x16x2048xf32, #tpu.memory_space<vmem>> -> memref<16x2048xf32, #tpu.memory_space<vmem>>
      %dma_start3A_337 = tpu.memref_slice %arg5[%mul3A_331] : memref<4096xi32, #tpu.memory_space<vmem>> -> memref<16xi32, #tpu.memory_space<vmem>>
      %dma_start3A_338 = arith.constant 0 : i32
      %dma_start3A_339 = arith.constant 0 : i32
      %dma_start3A_340 = tpu.memref_slice %arg2[%dma_start3A_338, %dma_start3A_339] : memref<50272x2048xf32, #tpu.memory_space<hbm>> -> memref<50272x2048xf32, #tpu.memory_space<hbm>>
      tpu.enqueue_indirect_dma source(%dma_start3A_340 : memref<50272x2048xf32, #tpu.memory_space<hbm>>) target(%dma_start3A_336 : memref<16x2048xf32, #tpu.memory_space<vmem>>) offsets(%dma_start3A_337 : memref<16xi32, #tpu.memory_space<vmem>>) semaphore(%arg8 : memref<!tpu.dma_semaphore, #tpu.memory_space<semaphore_mem>>)
      %dma_wait3A_341 = arith.constant 2 : i32
      %dma_wait3A_342 = arith.constant 0 : i32
      %dma_wait3A_343 = arith.constant 0 : i32
      %dma_wait3A_344 = tpu.memref_slice %arg6[%dma_wait3A_341, %dma_wait3A_342, %dma_wait3A_343] : memref<3x16x2048xf32, #tpu.memory_space<vmem>> -> memref<1x16x2048xf32, #tpu.memory_space<vmem>>
      %dma_wait3A_345 = tpu.memref_squeeze %dma_wait3A_344 : memref<1x16x2048xf32, #tpu.memory_space<vmem>> -> memref<16x2048xf32, #tpu.memory_space<vmem>>
      %dma_wait3A_346 = arith.constant 0 : i32
      %dma_wait3A_347 = tpu.memref_slice %arg4[%mul3A_2, %dma_wait3A_346] : memref<131072x2048xf32, #tpu.memory_space<hbm>> -> memref<16x2048xf32, #tpu.memory_space<hbm>>
      %dma_wait3A_348 = arith.constant 0 : i32
      %dma_wait3A_349 = tpu.memref_slice %arg4[%mul3A_2, %dma_wait3A_348] : memref<131072x2048xf32, #tpu.memory_space<hbm>> -> memref<16x2048xf32, #tpu.memory_space<hbm>>
      %dma_wait3A_350 = arith.constant 0 : i32
      %dma_wait3A_351 = arith.constant 0 : i32
      %dma_wait3A_352 = tpu.memref_slice %arg6[%dma_wait3A_341, %dma_wait3A_350, %dma_wait3A_351] : memref<3x16x2048xf32, #tpu.memory_space<vmem>> -> memref<1x16x2048xf32, #tpu.memory_space<vmem>>
      %dma_wait3A_353 = tpu.memref_squeeze %dma_wait3A_352 : memref<1x16x2048xf32, #tpu.memory_space<vmem>> -> memref<16x2048xf32, #tpu.memory_space<vmem>>
      tpu.wait_dma2 semaphore(%arg12 : memref<!tpu.dma_semaphore, #tpu.memory_space<semaphore_mem>>) src(%dma_wait3A_353 : memref<16x2048xf32, #tpu.memory_space<vmem>>) dst(%dma_wait3A_349 : memref<16x2048xf32, #tpu.memory_space<hbm>>)
      %add3A_354 = arith.constant 3 : i32
      %add3A_355 = arith.addi %mul3A_200, %add3A_354 : i32
      %add3A_356 = arith.constant 2 : i32
      %add3A_357 = arith.addi %add3A_355, %add3A_356 : i32
      %mul3A_358 = arith.constant 16 : i32
      %mul3A_359 = arith.muli %add3A_357, %mul3A_358 : i32
      %dma_start3A_360 = arith.constant 2 : i32
      %dma_start3A_361 = arith.constant 0 : i32
      %dma_start3A_362 = arith.constant 0 : i32
      %dma_start3A_363 = tpu.memref_slice %arg6[%dma_start3A_360, %dma_start3A_361, %dma_start3A_362] : memref<3x16x2048xf32, #tpu.memory_space<vmem>> -> memref<1x16x2048xf32, #tpu.memory_space<vmem>>
      %dma_start3A_364 = tpu.memref_squeeze %dma_start3A_363 : memref<1x16x2048xf32, #tpu.memory_space<vmem>> -> memref<16x2048xf32, #tpu.memory_space<vmem>>
      %dma_start3A_365 = tpu.memref_slice %arg5[%mul3A_359] : memref<4096xi32, #tpu.memory_space<vmem>> -> memref<16xi32, #tpu.memory_space<vmem>>
      %dma_start3A_366 = arith.constant 0 : i32
      %dma_start3A_367 = arith.constant 0 : i32
      %dma_start3A_368 = tpu.memref_slice %arg2[%dma_start3A_366, %dma_start3A_367] : memref<50272x2048xf32, #tpu.memory_space<hbm>> -> memref<50272x2048xf32, #tpu.memory_space<hbm>>
      tpu.enqueue_indirect_dma source(%dma_start3A_368 : memref<50272x2048xf32, #tpu.memory_space<hbm>>) target(%dma_start3A_364 : memref<16x2048xf32, #tpu.memory_space<vmem>>) offsets(%dma_start3A_365 : memref<16xi32, #tpu.memory_space<vmem>>) semaphore(%arg9 : memref<!tpu.dma_semaphore, #tpu.memory_space<semaphore_mem>>)
    }
    %scan3A_36 = arith.constant 84 : i32
    %dma_wait3A = arith.constant 0 : i32
    %dma_wait3A_37 = arith.constant 0 : i32
    %dma_wait3A_38 = arith.constant 0 : i32
    %dma_wait3A_39 = tpu.memref_slice %arg6[%dma_wait3A, %dma_wait3A_37, %dma_wait3A_38] : memref<3x16x2048xf32, #tpu.memory_space<vmem>> -> memref<1x16x2048xf32, #tpu.memory_space<vmem>>
    %dma_wait3A_40 = tpu.memref_squeeze %dma_wait3A_39 : memref<1x16x2048xf32, #tpu.memory_space<vmem>> -> memref<16x2048xf32, #tpu.memory_space<vmem>>
    %dma_wait3A_41 = arith.constant 0 : i32
    %dma_wait3A_42 = tpu.memref_slice %arg5[%dma_wait3A_41] : memref<4096xi32, #tpu.memory_space<vmem>> -> memref<16xi32, #tpu.memory_space<vmem>>
    %dma_wait3A_43 = arith.constant 0 : i32
    %dma_wait3A_44 = arith.constant 0 : i32
    %dma_wait3A_45 = tpu.memref_slice %arg2[%dma_wait3A_43, %dma_wait3A_44] : memref<50272x2048xf32, #tpu.memory_space<hbm>> -> memref<50272x2048xf32, #tpu.memory_space<hbm>>
    tpu.wait_indirect_dma semaphore(%arg7 : memref<!tpu.dma_semaphore, #tpu.memory_space<semaphore_mem>>) src(%dma_wait3A_45 : memref<50272x2048xf32, #tpu.memory_space<hbm>>) dst(%dma_wait3A_40 : memref<16x2048xf32, #tpu.memory_space<vmem>>)
    %add3A_46 = arith.constant 4032 : i32
    %add3A_47 = arith.addi %mul3A_2, %add3A_46 : i32
    %dma_start3A_48 = arith.constant 0 : i32
    %dma_start3A_49 = arith.constant 0 : i32
    %dma_start3A_50 = arith.constant 0 : i32
    %dma_start3A_51 = tpu.memref_slice %arg6[%dma_start3A_48, %dma_start3A_49, %dma_start3A_50] : memref<3x16x2048xf32, #tpu.memory_space<vmem>> -> memref<1x16x2048xf32, #tpu.memory_space<vmem>>
    %dma_start3A_52 = tpu.memref_squeeze %dma_start3A_51 : memref<1x16x2048xf32, #tpu.memory_space<vmem>> -> memref<16x2048xf32, #tpu.memory_space<vmem>>
    %dma_start3A_53 = arith.constant 0 : i32
    %dma_start3A_54 = tpu.memref_slice %arg4[%add3A_47, %dma_start3A_53] : memref<131072x2048xf32, #tpu.memory_space<hbm>> -> memref<16x2048xf32, #tpu.memory_space<hbm>>
    %dma_start3A_55 = arith.constant 0 : i32
    %dma_start3A_56 = tpu.memref_slice %arg4[%add3A_47, %dma_start3A_55] : memref<131072x2048xf32, #tpu.memory_space<hbm>> -> memref<16x2048xf32, #tpu.memory_space<hbm>>
    %dma_start3A_57 = arith.constant 0 : i32
    %dma_start3A_58 = arith.constant 0 : i32
    %dma_start3A_59 = tpu.memref_slice %arg6[%dma_start3A_48, %dma_start3A_57, %dma_start3A_58] : memref<3x16x2048xf32, #tpu.memory_space<vmem>> -> memref<1x16x2048xf32, #tpu.memory_space<vmem>>
    %dma_start3A_60 = tpu.memref_squeeze %dma_start3A_59 : memref<1x16x2048xf32, #tpu.memory_space<vmem>> -> memref<16x2048xf32, #tpu.memory_space<vmem>>
    tpu.enqueue_dma source(%dma_start3A_60 : memref<16x2048xf32, #tpu.memory_space<vmem>>) target(%dma_start3A_56 : memref<16x2048xf32, #tpu.memory_space<hbm>>) target_semaphore(%arg10 : memref<!tpu.dma_semaphore, #tpu.memory_space<semaphore_mem>>)
    %dma_wait3A_61 = arith.constant 0 : i32
    %dma_wait3A_62 = arith.constant 0 : i32
    %dma_wait3A_63 = arith.constant 0 : i32
    %dma_wait3A_64 = tpu.memref_slice %arg6[%dma_wait3A_61, %dma_wait3A_62, %dma_wait3A_63] : memref<3x16x2048xf32, #tpu.memory_space<vmem>> -> memref<1x16x2048xf32, #tpu.memory_space<vmem>>
    %dma_wait3A_65 = tpu.memref_squeeze %dma_wait3A_64 : memref<1x16x2048xf32, #tpu.memory_space<vmem>> -> memref<16x2048xf32, #tpu.memory_space<vmem>>
    %dma_wait3A_66 = arith.constant 0 : i32
    %dma_wait3A_67 = tpu.memref_slice %arg4[%mul3A_2, %dma_wait3A_66] : memref<131072x2048xf32, #tpu.memory_space<hbm>> -> memref<16x2048xf32, #tpu.memory_space<hbm>>
    %dma_wait3A_68 = arith.constant 0 : i32
    %dma_wait3A_69 = tpu.memref_slice %arg4[%mul3A_2, %dma_wait3A_68] : memref<131072x2048xf32, #tpu.memory_space<hbm>> -> memref<16x2048xf32, #tpu.memory_space<hbm>>
    %dma_wait3A_70 = arith.constant 0 : i32
    %dma_wait3A_71 = arith.constant 0 : i32
    %dma_wait3A_72 = tpu.memref_slice %arg6[%dma_wait3A_61, %dma_wait3A_70, %dma_wait3A_71] : memref<3x16x2048xf32, #tpu.memory_space<vmem>> -> memref<1x16x2048xf32, #tpu.memory_space<vmem>>
    %dma_wait3A_73 = tpu.memref_squeeze %dma_wait3A_72 : memref<1x16x2048xf32, #tpu.memory_space<vmem>> -> memref<16x2048xf32, #tpu.memory_space<vmem>>
    tpu.wait_dma2 semaphore(%arg10 : memref<!tpu.dma_semaphore, #tpu.memory_space<semaphore_mem>>) src(%dma_wait3A_73 : memref<16x2048xf32, #tpu.memory_space<vmem>>) dst(%dma_wait3A_69 : memref<16x2048xf32, #tpu.memory_space<hbm>>)
    %dma_start3A_74 = arith.constant 0 : i32
    %dma_start3A_75 = arith.constant 0 : i32
    %dma_start3A_76 = arith.constant 0 : i32
    %dma_start3A_77 = tpu.memref_slice %arg6[%dma_start3A_74, %dma_start3A_75, %dma_start3A_76] : memref<3x16x2048xf32, #tpu.memory_space<vmem>> -> memref<1x16x2048xf32, #tpu.memory_space<vmem>>
    %dma_start3A_78 = tpu.memref_squeeze %dma_start3A_77 : memref<1x16x2048xf32, #tpu.memory_space<vmem>> -> memref<16x2048xf32, #tpu.memory_space<vmem>>
    %dma_start3A_79 = arith.constant 4080 : i32
    %dma_start3A_80 = tpu.memref_slice %arg5[%dma_start3A_79] : memref<4096xi32, #tpu.memory_space<vmem>> -> memref<16xi32, #tpu.memory_space<vmem>>
    %dma_start3A_81 = arith.constant 0 : i32
    %dma_start3A_82 = arith.constant 0 : i32
    %dma_start3A_83 = tpu.memref_slice %arg2[%dma_start3A_81, %dma_start3A_82] : memref<50272x2048xf32, #tpu.memory_space<hbm>> -> memref<50272x2048xf32, #tpu.memory_space<hbm>>
    tpu.enqueue_indirect_dma source(%dma_start3A_83 : memref<50272x2048xf32, #tpu.memory_space<hbm>>) target(%dma_start3A_78 : memref<16x2048xf32, #tpu.memory_space<vmem>>) offsets(%dma_start3A_80 : memref<16xi32, #tpu.memory_space<vmem>>) semaphore(%arg7 : memref<!tpu.dma_semaphore, #tpu.memory_space<semaphore_mem>>)
    %dma_wait3A_84 = arith.constant 1 : i32
    %dma_wait3A_85 = arith.constant 0 : i32
    %dma_wait3A_86 = arith.constant 0 : i32
    %dma_wait3A_87 = tpu.memref_slice %arg6[%dma_wait3A_84, %dma_wait3A_85, %dma_wait3A_86] : memref<3x16x2048xf32, #tpu.memory_space<vmem>> -> memref<1x16x2048xf32, #tpu.memory_space<vmem>>
    %dma_wait3A_88 = tpu.memref_squeeze %dma_wait3A_87 : memref<1x16x2048xf32, #tpu.memory_space<vmem>> -> memref<16x2048xf32, #tpu.memory_space<vmem>>
    %dma_wait3A_89 = arith.constant 0 : i32
    %dma_wait3A_90 = tpu.memref_slice %arg5[%dma_wait3A_89] : memref<4096xi32, #tpu.memory_space<vmem>> -> memref<16xi32, #tpu.memory_space<vmem>>
    %dma_wait3A_91 = arith.constant 0 : i32
    %dma_wait3A_92 = arith.constant 0 : i32
    %dma_wait3A_93 = tpu.memref_slice %arg2[%dma_wait3A_91, %dma_wait3A_92] : memref<50272x2048xf32, #tpu.memory_space<hbm>> -> memref<50272x2048xf32, #tpu.memory_space<hbm>>
    tpu.wait_indirect_dma semaphore(%arg8 : memref<!tpu.dma_semaphore, #tpu.memory_space<semaphore_mem>>) src(%dma_wait3A_93 : memref<50272x2048xf32, #tpu.memory_space<hbm>>) dst(%dma_wait3A_88 : memref<16x2048xf32, #tpu.memory_space<vmem>>)
    %add3A_94 = arith.constant 4048 : i32
    %add3A_95 = arith.addi %mul3A_2, %add3A_94 : i32
    %dma_start3A_96 = arith.constant 1 : i32
    %dma_start3A_97 = arith.constant 0 : i32
    %dma_start3A_98 = arith.constant 0 : i32
    %dma_start3A_99 = tpu.memref_slice %arg6[%dma_start3A_96, %dma_start3A_97, %dma_start3A_98] : memref<3x16x2048xf32, #tpu.memory_space<vmem>> -> memref<1x16x2048xf32, #tpu.memory_space<vmem>>
    %dma_start3A_100 = tpu.memref_squeeze %dma_start3A_99 : memref<1x16x2048xf32, #tpu.memory_space<vmem>> -> memref<16x2048xf32, #tpu.memory_space<vmem>>
    %dma_start3A_101 = arith.constant 0 : i32
    %dma_start3A_102 = tpu.memref_slice %arg4[%add3A_95, %dma_start3A_101] : memref<131072x2048xf32, #tpu.memory_space<hbm>> -> memref<16x2048xf32, #tpu.memory_space<hbm>>
    %dma_start3A_103 = arith.constant 0 : i32
    %dma_start3A_104 = tpu.memref_slice %arg4[%add3A_95, %dma_start3A_103] : memref<131072x2048xf32, #tpu.memory_space<hbm>> -> memref<16x2048xf32, #tpu.memory_space<hbm>>
    %dma_start3A_105 = arith.constant 0 : i32
    %dma_start3A_106 = arith.constant 0 : i32
    %dma_start3A_107 = tpu.memref_slice %arg6[%dma_start3A_96, %dma_start3A_105, %dma_start3A_106] : memref<3x16x2048xf32, #tpu.memory_space<vmem>> -> memref<1x16x2048xf32, #tpu.memory_space<vmem>>
    %dma_start3A_108 = tpu.memref_squeeze %dma_start3A_107 : memref<1x16x2048xf32, #tpu.memory_space<vmem>> -> memref<16x2048xf32, #tpu.memory_space<vmem>>
    tpu.enqueue_dma source(%dma_start3A_108 : memref<16x2048xf32, #tpu.memory_space<vmem>>) target(%dma_start3A_104 : memref<16x2048xf32, #tpu.memory_space<hbm>>) target_semaphore(%arg11 : memref<!tpu.dma_semaphore, #tpu.memory_space<semaphore_mem>>)
    %dma_wait3A_109 = arith.constant 2 : i32
    %dma_wait3A_110 = arith.constant 0 : i32
    %dma_wait3A_111 = arith.constant 0 : i32
    %dma_wait3A_112 = tpu.memref_slice %arg6[%dma_wait3A_109, %dma_wait3A_110, %dma_wait3A_111] : memref<3x16x2048xf32, #tpu.memory_space<vmem>> -> memref<1x16x2048xf32, #tpu.memory_space<vmem>>
    %dma_wait3A_113 = tpu.memref_squeeze %dma_wait3A_112 : memref<1x16x2048xf32, #tpu.memory_space<vmem>> -> memref<16x2048xf32, #tpu.memory_space<vmem>>
    %dma_wait3A_114 = arith.constant 0 : i32
    %dma_wait3A_115 = tpu.memref_slice %arg5[%dma_wait3A_114] : memref<4096xi32, #tpu.memory_space<vmem>> -> memref<16xi32, #tpu.memory_space<vmem>>
    %dma_wait3A_116 = arith.constant 0 : i32
    %dma_wait3A_117 = arith.constant 0 : i32
    %dma_wait3A_118 = tpu.memref_slice %arg2[%dma_wait3A_116, %dma_wait3A_117] : memref<50272x2048xf32, #tpu.memory_space<hbm>> -> memref<50272x2048xf32, #tpu.memory_space<hbm>>
    tpu.wait_indirect_dma semaphore(%arg9 : memref<!tpu.dma_semaphore, #tpu.memory_space<semaphore_mem>>) src(%dma_wait3A_118 : memref<50272x2048xf32, #tpu.memory_space<hbm>>) dst(%dma_wait3A_113 : memref<16x2048xf32, #tpu.memory_space<vmem>>)
    %add3A_119 = arith.constant 4064 : i32
    %add3A_120 = arith.addi %mul3A_2, %add3A_119 : i32
    %dma_start3A_121 = arith.constant 2 : i32
    %dma_start3A_122 = arith.constant 0 : i32
    %dma_start3A_123 = arith.constant 0 : i32
    %dma_start3A_124 = tpu.memref_slice %arg6[%dma_start3A_121, %dma_start3A_122, %dma_start3A_123] : memref<3x16x2048xf32, #tpu.memory_space<vmem>> -> memref<1x16x2048xf32, #tpu.memory_space<vmem>>
    %dma_start3A_125 = tpu.memref_squeeze %dma_start3A_124 : memref<1x16x2048xf32, #tpu.memory_space<vmem>> -> memref<16x2048xf32, #tpu.memory_space<vmem>>
    %dma_start3A_126 = arith.constant 0 : i32
    %dma_start3A_127 = tpu.memref_slice %arg4[%add3A_120, %dma_start3A_126] : memref<131072x2048xf32, #tpu.memory_space<hbm>> -> memref<16x2048xf32, #tpu.memory_space<hbm>>
    %dma_start3A_128 = arith.constant 0 : i32
    %dma_start3A_129 = tpu.memref_slice %arg4[%add3A_120, %dma_start3A_128] : memref<131072x2048xf32, #tpu.memory_space<hbm>> -> memref<16x2048xf32, #tpu.memory_space<hbm>>
    %dma_start3A_130 = arith.constant 0 : i32
    %dma_start3A_131 = arith.constant 0 : i32
    %dma_start3A_132 = tpu.memref_slice %arg6[%dma_start3A_121, %dma_start3A_130, %dma_start3A_131] : memref<3x16x2048xf32, #tpu.memory_space<vmem>> -> memref<1x16x2048xf32, #tpu.memory_space<vmem>>
    %dma_start3A_133 = tpu.memref_squeeze %dma_start3A_132 : memref<1x16x2048xf32, #tpu.memory_space<vmem>> -> memref<16x2048xf32, #tpu.memory_space<vmem>>
    tpu.enqueue_dma source(%dma_start3A_133 : memref<16x2048xf32, #tpu.memory_space<vmem>>) target(%dma_start3A_129 : memref<16x2048xf32, #tpu.memory_space<hbm>>) target_semaphore(%arg12 : memref<!tpu.dma_semaphore, #tpu.memory_space<semaphore_mem>>)
    %dma_wait3A_134 = arith.constant 0 : i32
    %dma_wait3A_135 = arith.constant 0 : i32
    %dma_wait3A_136 = arith.constant 0 : i32
    %dma_wait3A_137 = tpu.memref_slice %arg6[%dma_wait3A_134, %dma_wait3A_135, %dma_wait3A_136] : memref<3x16x2048xf32, #tpu.memory_space<vmem>> -> memref<1x16x2048xf32, #tpu.memory_space<vmem>>
    %dma_wait3A_138 = tpu.memref_squeeze %dma_wait3A_137 : memref<1x16x2048xf32, #tpu.memory_space<vmem>> -> memref<16x2048xf32, #tpu.memory_space<vmem>>
    %dma_wait3A_139 = arith.constant 0 : i32
    %dma_wait3A_140 = tpu.memref_slice %arg5[%dma_wait3A_139] : memref<4096xi32, #tpu.memory_space<vmem>> -> memref<16xi32, #tpu.memory_space<vmem>>
    %dma_wait3A_141 = arith.constant 0 : i32
    %dma_wait3A_142 = arith.constant 0 : i32
    %dma_wait3A_143 = tpu.memref_slice %arg2[%dma_wait3A_141, %dma_wait3A_142] : memref<50272x2048xf32, #tpu.memory_space<hbm>> -> memref<50272x2048xf32, #tpu.memory_space<hbm>>
    tpu.wait_indirect_dma semaphore(%arg7 : memref<!tpu.dma_semaphore, #tpu.memory_space<semaphore_mem>>) src(%dma_wait3A_143 : memref<50272x2048xf32, #tpu.memory_space<hbm>>) dst(%dma_wait3A_138 : memref<16x2048xf32, #tpu.memory_space<vmem>>)
    %add3A_144 = arith.constant 4080 : i32
    %add3A_145 = arith.addi %mul3A_2, %add3A_144 : i32
    %dma_start3A_146 = arith.constant 0 : i32
    %dma_start3A_147 = arith.constant 0 : i32
    %dma_start3A_148 = arith.constant 0 : i32
    %dma_start3A_149 = tpu.memref_slice %arg6[%dma_start3A_146, %dma_start3A_147, %dma_start3A_148] : memref<3x16x2048xf32, #tpu.memory_space<vmem>> -> memref<1x16x2048xf32, #tpu.memory_space<vmem>>
    %dma_start3A_150 = tpu.memref_squeeze %dma_start3A_149 : memref<1x16x2048xf32, #tpu.memory_space<vmem>> -> memref<16x2048xf32, #tpu.memory_space<vmem>>
    %dma_start3A_151 = arith.constant 0 : i32
    %dma_start3A_152 = tpu.memref_slice %arg4[%add3A_145, %dma_start3A_151] : memref<131072x2048xf32, #tpu.memory_space<hbm>> -> memref<16x2048xf32, #tpu.memory_space<hbm>>
    %dma_start3A_153 = arith.constant 0 : i32
    %dma_start3A_154 = tpu.memref_slice %arg4[%add3A_145, %dma_start3A_153] : memref<131072x2048xf32, #tpu.memory_space<hbm>> -> memref<16x2048xf32, #tpu.memory_space<hbm>>
    %dma_start3A_155 = arith.constant 0 : i32
    %dma_start3A_156 = arith.constant 0 : i32
    %dma_start3A_157 = tpu.memref_slice %arg6[%dma_start3A_146, %dma_start3A_155, %dma_start3A_156] : memref<3x16x2048xf32, #tpu.memory_space<vmem>> -> memref<1x16x2048xf32, #tpu.memory_space<vmem>>
    %dma_start3A_158 = tpu.memref_squeeze %dma_start3A_157 : memref<1x16x2048xf32, #tpu.memory_space<vmem>> -> memref<16x2048xf32, #tpu.memory_space<vmem>>
    tpu.enqueue_dma source(%dma_start3A_158 : memref<16x2048xf32, #tpu.memory_space<vmem>>) target(%dma_start3A_154 : memref<16x2048xf32, #tpu.memory_space<hbm>>) target_semaphore(%arg10 : memref<!tpu.dma_semaphore, #tpu.memory_space<semaphore_mem>>)
    %dma_wait3A_159 = arith.constant 0 : i32
    %dma_wait3A_160 = arith.constant 0 : i32
    %dma_wait3A_161 = arith.constant 0 : i32
    %dma_wait3A_162 = tpu.memref_slice %arg6[%dma_wait3A_159, %dma_wait3A_160, %dma_wait3A_161] : memref<3x16x2048xf32, #tpu.memory_space<vmem>> -> memref<1x16x2048xf32, #tpu.memory_space<vmem>>
    %dma_wait3A_163 = tpu.memref_squeeze %dma_wait3A_162 : memref<1x16x2048xf32, #tpu.memory_space<vmem>> -> memref<16x2048xf32, #tpu.memory_space<vmem>>
    %dma_wait3A_164 = arith.constant 0 : i32
    %dma_wait3A_165 = tpu.memref_slice %arg4[%mul3A_2, %dma_wait3A_164] : memref<131072x2048xf32, #tpu.memory_space<hbm>> -> memref<16x2048xf32, #tpu.memory_space<hbm>>
    %dma_wait3A_166 = arith.constant 0 : i32
    %dma_wait3A_167 = tpu.memref_slice %arg4[%mul3A_2, %dma_wait3A_166] : memref<131072x2048xf32, #tpu.memory_space<hbm>> -> memref<16x2048xf32, #tpu.memory_space<hbm>>
    %dma_wait3A_168 = arith.constant 0 : i32
    %dma_wait3A_169 = arith.constant 0 : i32
    %dma_wait3A_170 = tpu.memref_slice %arg6[%dma_wait3A_159, %dma_wait3A_168, %dma_wait3A_169] : memref<3x16x2048xf32, #tpu.memory_space<vmem>> -> memref<1x16x2048xf32, #tpu.memory_space<vmem>>
    %dma_wait3A_171 = tpu.memref_squeeze %dma_wait3A_170 : memref<1x16x2048xf32, #tpu.memory_space<vmem>> -> memref<16x2048xf32, #tpu.memory_space<vmem>>
    tpu.wait_dma2 semaphore(%arg10 : memref<!tpu.dma_semaphore, #tpu.memory_space<semaphore_mem>>) src(%dma_wait3A_171 : memref<16x2048xf32, #tpu.memory_space<vmem>>) dst(%dma_wait3A_167 : memref<16x2048xf32, #tpu.memory_space<hbm>>)
    %dma_wait3A_172 = arith.constant 1 : i32
    %dma_wait3A_173 = arith.constant 0 : i32
    %dma_wait3A_174 = arith.constant 0 : i32
    %dma_wait3A_175 = tpu.memref_slice %arg6[%dma_wait3A_172, %dma_wait3A_173, %dma_wait3A_174] : memref<3x16x2048xf32, #tpu.memory_space<vmem>> -> memref<1x16x2048xf32, #tpu.memory_space<vmem>>
    %dma_wait3A_176 = tpu.memref_squeeze %dma_wait3A_175 : memref<1x16x2048xf32, #tpu.memory_space<vmem>> -> memref<16x2048xf32, #tpu.memory_space<vmem>>
    %dma_wait3A_177 = arith.constant 0 : i32
    %dma_wait3A_178 = tpu.memref_slice %arg4[%mul3A_2, %dma_wait3A_177] : memref<131072x2048xf32, #tpu.memory_space<hbm>> -> memref<16x2048xf32, #tpu.memory_space<hbm>>
    %dma_wait3A_179 = arith.constant 0 : i32
    %dma_wait3A_180 = tpu.memref_slice %arg4[%mul3A_2, %dma_wait3A_179] : memref<131072x2048xf32, #tpu.memory_space<hbm>> -> memref<16x2048xf32, #tpu.memory_space<hbm>>
    %dma_wait3A_181 = arith.constant 0 : i32
    %dma_wait3A_182 = arith.constant 0 : i32
    %dma_wait3A_183 = tpu.memref_slice %arg6[%dma_wait3A_172, %dma_wait3A_181, %dma_wait3A_182] : memref<3x16x2048xf32, #tpu.memory_space<vmem>> -> memref<1x16x2048xf32, #tpu.memory_space<vmem>>
    %dma_wait3A_184 = tpu.memref_squeeze %dma_wait3A_183 : memref<1x16x2048xf32, #tpu.memory_space<vmem>> -> memref<16x2048xf32, #tpu.memory_space<vmem>>
    tpu.wait_dma2 semaphore(%arg11 : memref<!tpu.dma_semaphore, #tpu.memory_space<semaphore_mem>>) src(%dma_wait3A_184 : memref<16x2048xf32, #tpu.memory_space<vmem>>) dst(%dma_wait3A_180 : memref<16x2048xf32, #tpu.memory_space<hbm>>)
    %dma_wait3A_185 = arith.constant 2 : i32
    %dma_wait3A_186 = arith.constant 0 : i32
    %dma_wait3A_187 = arith.constant 0 : i32
    %dma_wait3A_188 = tpu.memref_slice %arg6[%dma_wait3A_185, %dma_wait3A_186, %dma_wait3A_187] : memref<3x16x2048xf32, #tpu.memory_space<vmem>> -> memref<1x16x2048xf32, #tpu.memory_space<vmem>>
    %dma_wait3A_189 = tpu.memref_squeeze %dma_wait3A_188 : memref<1x16x2048xf32, #tpu.memory_space<vmem>> -> memref<16x2048xf32, #tpu.memory_space<vmem>>
    %dma_wait3A_190 = arith.constant 0 : i32
    %dma_wait3A_191 = tpu.memref_slice %arg4[%mul3A_2, %dma_wait3A_190] : memref<131072x2048xf32, #tpu.memory_space<hbm>> -> memref<16x2048xf32, #tpu.memory_space<hbm>>
    %dma_wait3A_192 = arith.constant 0 : i32
    %dma_wait3A_193 = tpu.memref_slice %arg4[%mul3A_2, %dma_wait3A_192] : memref<131072x2048xf32, #tpu.memory_space<hbm>> -> memref<16x2048xf32, #tpu.memory_space<hbm>>
    %dma_wait3A_194 = arith.constant 0 : i32
    %dma_wait3A_195 = arith.constant 0 : i32
    %dma_wait3A_196 = tpu.memref_slice %arg6[%dma_wait3A_185, %dma_wait3A_194, %dma_wait3A_195] : memref<3x16x2048xf32, #tpu.memory_space<vmem>> -> memref<1x16x2048xf32, #tpu.memory_space<vmem>>
    %dma_wait3A_197 = tpu.memref_squeeze %dma_wait3A_196 : memref<1x16x2048xf32, #tpu.memory_space<vmem>> -> memref<16x2048xf32, #tpu.memory_space<vmem>>
    tpu.wait_dma2 semaphore(%arg12 : memref<!tpu.dma_semaphore, #tpu.memory_space<semaphore_mem>>) src(%dma_wait3A_197 : memref<16x2048xf32, #tpu.memory_space<vmem>>) dst(%dma_wait3A_193 : memref<16x2048xf32, #tpu.memory_space<hbm>>)
    return
  }
}

#map = affine_map<(d0, d1) -> (0, 0)>
#map1 = affine_map<(d0, d1) -> (0)>
module attributes {stable_mosaic.version = 14 : i64} {
  func.func @gather(%arg0: i32, %arg1: i32, %arg2: memref<32000x4096xf32, #tpu.memory_space<hbm>>, %arg3: memref<131072xi32, #tpu.memory_space<hbm>>, %arg4: memref<131072x4096xf32, #tpu.memory_space<hbm>>, %arg5: memref<4096xi32, #tpu.memory_space<vmem>>, %arg6: memref<3x8x4096xf32, #tpu.memory_space<vmem>>, %arg7: memref<!tpu.dma_semaphore, #tpu.memory_space<semaphore_mem>>, %arg8: memref<!tpu.dma_semaphore, #tpu.memory_space<semaphore_mem>>, %arg9: memref<!tpu.dma_semaphore, #tpu.memory_space<semaphore_mem>>, %arg10: memref<!tpu.dma_semaphore, #tpu.memory_space<semaphore_mem>>, %arg11: memref<!tpu.dma_semaphore, #tpu.memory_space<semaphore_mem>>, %arg12: memref<!tpu.dma_semaphore, #tpu.memory_space<semaphore_mem>>) attributes {dimension_semantics = [#tpu.dimension_semantics<core_parallel>, #tpu.dimension_semantics<subcore_parallel>], iteration_bounds = array<i64: 2, 16>, scalar_prefetch = 0 : i64, scratch_operands = 8 : i64, tpu.core_type = #tpu.core_type<sc_vector_subcore>, window_params = [{transform_indices = #map}, {transform_indices = #map1}, {transform_indices = #map}]} {
    %mul3A = arith.constant 2 : i32
    %mul3A_0 = arith.muli %arg1, %mul3A : i32
    %add3A = arith.addi %mul3A_0, %arg0 : i32
    %mul3A_1 = arith.constant 4096 : i32
    %mul3A_2 = arith.muli %add3A, %mul3A_1 : i32
    "tpu.region"() ({
      %run_scoped3A = tpu.sem_alloc : memref<!tpu.dma_semaphore, #tpu.memory_space<semaphore_mem>>
      %dma_start3A_246 = tpu.memref_slice %arg3[%mul3A_2] : memref<131072xi32, #tpu.memory_space<hbm>> -> memref<4096xi32, #tpu.memory_space<hbm>>
      %dma_start3A_247 = tpu.memref_slice %arg3[%mul3A_2] : memref<131072xi32, #tpu.memory_space<hbm>> -> memref<4096xi32, #tpu.memory_space<hbm>>
      tpu.enqueue_dma source(%dma_start3A_247 : memref<4096xi32, #tpu.memory_space<hbm>>) target(%arg5 : memref<4096xi32, #tpu.memory_space<vmem>>) target_semaphore(%run_scoped3A : memref<!tpu.dma_semaphore, #tpu.memory_space<semaphore_mem>>)
      %dma_wait3A_248 = tpu.memref_slice %arg3[%mul3A_2] : memref<131072xi32, #tpu.memory_space<hbm>> -> memref<4096xi32, #tpu.memory_space<hbm>>
      %dma_wait3A_249 = tpu.memref_slice %arg3[%mul3A_2] : memref<131072xi32, #tpu.memory_space<hbm>> -> memref<4096xi32, #tpu.memory_space<hbm>>
      tpu.wait_dma2 semaphore(%run_scoped3A : memref<!tpu.dma_semaphore, #tpu.memory_space<semaphore_mem>>) src(%dma_wait3A_249 : memref<4096xi32, #tpu.memory_space<hbm>>) dst(%arg5 : memref<4096xi32, #tpu.memory_space<vmem>>)
      tpu.yield
    }) : () -> ()
    %dma_start3A = arith.constant 0 : i32
    %dma_start3A_3 = arith.constant 0 : i32
    %dma_start3A_4 = arith.constant 0 : i32
    %dma_start3A_5 = tpu.memref_slice %arg6[%dma_start3A, %dma_start3A_3, %dma_start3A_4] : memref<3x8x4096xf32, #tpu.memory_space<vmem>> -> memref<1x8x4096xf32, #tpu.memory_space<vmem>>
    %dma_start3A_6 = tpu.memref_squeeze %dma_start3A_5 : memref<1x8x4096xf32, #tpu.memory_space<vmem>> -> memref<8x4096xf32, #tpu.memory_space<vmem>>
    %dma_start3A_7 = arith.constant 0 : i32
    %dma_start3A_8 = tpu.memref_slice %arg5[%dma_start3A_7] : memref<4096xi32, #tpu.memory_space<vmem>> -> memref<8xi32, #tpu.memory_space<vmem>>
    %dma_start3A_9 = arith.constant 0 : i32
    %dma_start3A_10 = arith.constant 0 : i32
    %dma_start3A_11 = tpu.memref_slice %arg2[%dma_start3A_9, %dma_start3A_10] : memref<32000x4096xf32, #tpu.memory_space<hbm>> -> memref<32000x4096xf32, #tpu.memory_space<hbm>>
    tpu.enqueue_indirect_dma source(%dma_start3A_11 : memref<32000x4096xf32, #tpu.memory_space<hbm>>) target(%dma_start3A_6 : memref<8x4096xf32, #tpu.memory_space<vmem>>) offsets(%dma_start3A_8 : memref<8xi32, #tpu.memory_space<vmem>>) semaphore(%arg7 : memref<!tpu.dma_semaphore, #tpu.memory_space<semaphore_mem>>)
    %dma_start3A_12 = arith.constant 1 : i32
    %dma_start3A_13 = arith.constant 0 : i32
    %dma_start3A_14 = arith.constant 0 : i32
    %dma_start3A_15 = tpu.memref_slice %arg6[%dma_start3A_12, %dma_start3A_13, %dma_start3A_14] : memref<3x8x4096xf32, #tpu.memory_space<vmem>> -> memref<1x8x4096xf32, #tpu.memory_space<vmem>>
    %dma_start3A_16 = tpu.memref_squeeze %dma_start3A_15 : memref<1x8x4096xf32, #tpu.memory_space<vmem>> -> memref<8x4096xf32, #tpu.memory_space<vmem>>
    %dma_start3A_17 = arith.constant 8 : i32
    %dma_start3A_18 = tpu.memref_slice %arg5[%dma_start3A_17] : memref<4096xi32, #tpu.memory_space<vmem>> -> memref<8xi32, #tpu.memory_space<vmem>>
    %dma_start3A_19 = arith.constant 0 : i32
    %dma_start3A_20 = arith.constant 0 : i32
    %dma_start3A_21 = tpu.memref_slice %arg2[%dma_start3A_19, %dma_start3A_20] : memref<32000x4096xf32, #tpu.memory_space<hbm>> -> memref<32000x4096xf32, #tpu.memory_space<hbm>>
    tpu.enqueue_indirect_dma source(%dma_start3A_21 : memref<32000x4096xf32, #tpu.memory_space<hbm>>) target(%dma_start3A_16 : memref<8x4096xf32, #tpu.memory_space<vmem>>) offsets(%dma_start3A_18 : memref<8xi32, #tpu.memory_space<vmem>>) semaphore(%arg8 : memref<!tpu.dma_semaphore, #tpu.memory_space<semaphore_mem>>)
    %dma_start3A_22 = arith.constant 2 : i32
    %dma_start3A_23 = arith.constant 0 : i32
    %dma_start3A_24 = arith.constant 0 : i32
    %dma_start3A_25 = tpu.memref_slice %arg6[%dma_start3A_22, %dma_start3A_23, %dma_start3A_24] : memref<3x8x4096xf32, #tpu.memory_space<vmem>> -> memref<1x8x4096xf32, #tpu.memory_space<vmem>>
    %dma_start3A_26 = tpu.memref_squeeze %dma_start3A_25 : memref<1x8x4096xf32, #tpu.memory_space<vmem>> -> memref<8x4096xf32, #tpu.memory_space<vmem>>
    %dma_start3A_27 = arith.constant 16 : i32
    %dma_start3A_28 = tpu.memref_slice %arg5[%dma_start3A_27] : memref<4096xi32, #tpu.memory_space<vmem>> -> memref<8xi32, #tpu.memory_space<vmem>>
    %dma_start3A_29 = arith.constant 0 : i32
    %dma_start3A_30 = arith.constant 0 : i32
    %dma_start3A_31 = tpu.memref_slice %arg2[%dma_start3A_29, %dma_start3A_30] : memref<32000x4096xf32, #tpu.memory_space<hbm>> -> memref<32000x4096xf32, #tpu.memory_space<hbm>>
    tpu.enqueue_indirect_dma source(%dma_start3A_31 : memref<32000x4096xf32, #tpu.memory_space<hbm>>) target(%dma_start3A_26 : memref<8x4096xf32, #tpu.memory_space<vmem>>) offsets(%dma_start3A_28 : memref<8xi32, #tpu.memory_space<vmem>>) semaphore(%arg9 : memref<!tpu.dma_semaphore, #tpu.memory_space<semaphore_mem>>)
    %scan3A = arith.constant 0 : i32
    %scan3A_32 = arith.constant 0 : i32
    %scan3A_33 = arith.constant 169 : i32
    %scan3A_34 = arith.addi %scan3A_32, %scan3A_33 : i32
    %scan3A_35 = arith.constant 1 : i32
    scf.for %scan3A_246 = %scan3A_32 to %scan3A_34 step %scan3A_35  : i32 {
      %mul3A_247 = arith.constant 3 : i32
      %mul3A_248 = arith.muli %scan3A_246, %mul3A_247 : i32
      %dma_wait3A_249 = arith.constant 0 : i32
      %dma_wait3A_250 = arith.constant 0 : i32
      %dma_wait3A_251 = arith.constant 0 : i32
      %dma_wait3A_252 = tpu.memref_slice %arg6[%dma_wait3A_249, %dma_wait3A_250, %dma_wait3A_251] : memref<3x8x4096xf32, #tpu.memory_space<vmem>> -> memref<1x8x4096xf32, #tpu.memory_space<vmem>>
      %dma_wait3A_253 = tpu.memref_squeeze %dma_wait3A_252 : memref<1x8x4096xf32, #tpu.memory_space<vmem>> -> memref<8x4096xf32, #tpu.memory_space<vmem>>
      %dma_wait3A_254 = arith.constant 0 : i32
      %dma_wait3A_255 = tpu.memref_slice %arg5[%dma_wait3A_254] : memref<4096xi32, #tpu.memory_space<vmem>> -> memref<8xi32, #tpu.memory_space<vmem>>
      %dma_wait3A_256 = arith.constant 0 : i32
      %dma_wait3A_257 = arith.constant 0 : i32
      %dma_wait3A_258 = tpu.memref_slice %arg2[%dma_wait3A_256, %dma_wait3A_257] : memref<32000x4096xf32, #tpu.memory_space<hbm>> -> memref<32000x4096xf32, #tpu.memory_space<hbm>>
      tpu.wait_indirect_dma semaphore(%arg7 : memref<!tpu.dma_semaphore, #tpu.memory_space<semaphore_mem>>) src(%dma_wait3A_258 : memref<32000x4096xf32, #tpu.memory_space<hbm>>) dst(%dma_wait3A_253 : memref<8x4096xf32, #tpu.memory_space<vmem>>)
      %add3A_259 = arith.constant 0 : i32
      %add3A_260 = arith.addi %mul3A_248, %add3A_259 : i32
      %mul3A_261 = arith.constant 8 : i32
      %mul3A_262 = arith.muli %add3A_260, %mul3A_261 : i32
      %add3A_263 = arith.addi %mul3A_2, %mul3A_262 : i32
      %dma_start3A_264 = arith.constant 0 : i32
      %dma_start3A_265 = arith.constant 0 : i32
      %dma_start3A_266 = arith.constant 0 : i32
      %dma_start3A_267 = tpu.memref_slice %arg6[%dma_start3A_264, %dma_start3A_265, %dma_start3A_266] : memref<3x8x4096xf32, #tpu.memory_space<vmem>> -> memref<1x8x4096xf32, #tpu.memory_space<vmem>>
      %dma_start3A_268 = tpu.memref_squeeze %dma_start3A_267 : memref<1x8x4096xf32, #tpu.memory_space<vmem>> -> memref<8x4096xf32, #tpu.memory_space<vmem>>
      %dma_start3A_269 = arith.constant 0 : i32
      %dma_start3A_270 = tpu.memref_slice %arg4[%add3A_263, %dma_start3A_269] : memref<131072x4096xf32, #tpu.memory_space<hbm>> -> memref<8x4096xf32, #tpu.memory_space<hbm>>
      %dma_start3A_271 = arith.constant 0 : i32
      %dma_start3A_272 = tpu.memref_slice %arg4[%add3A_263, %dma_start3A_271] : memref<131072x4096xf32, #tpu.memory_space<hbm>> -> memref<8x4096xf32, #tpu.memory_space<hbm>>
      %dma_start3A_273 = arith.constant 0 : i32
      %dma_start3A_274 = arith.constant 0 : i32
      %dma_start3A_275 = tpu.memref_slice %arg6[%dma_start3A_264, %dma_start3A_273, %dma_start3A_274] : memref<3x8x4096xf32, #tpu.memory_space<vmem>> -> memref<1x8x4096xf32, #tpu.memory_space<vmem>>
      %dma_start3A_276 = tpu.memref_squeeze %dma_start3A_275 : memref<1x8x4096xf32, #tpu.memory_space<vmem>> -> memref<8x4096xf32, #tpu.memory_space<vmem>>
      tpu.enqueue_dma source(%dma_start3A_276 : memref<8x4096xf32, #tpu.memory_space<vmem>>) target(%dma_start3A_272 : memref<8x4096xf32, #tpu.memory_space<hbm>>) target_semaphore(%arg10 : memref<!tpu.dma_semaphore, #tpu.memory_space<semaphore_mem>>)
      %dma_wait3A_277 = arith.constant 1 : i32
      %dma_wait3A_278 = arith.constant 0 : i32
      %dma_wait3A_279 = arith.constant 0 : i32
      %dma_wait3A_280 = tpu.memref_slice %arg6[%dma_wait3A_277, %dma_wait3A_278, %dma_wait3A_279] : memref<3x8x4096xf32, #tpu.memory_space<vmem>> -> memref<1x8x4096xf32, #tpu.memory_space<vmem>>
      %dma_wait3A_281 = tpu.memref_squeeze %dma_wait3A_280 : memref<1x8x4096xf32, #tpu.memory_space<vmem>> -> memref<8x4096xf32, #tpu.memory_space<vmem>>
      %dma_wait3A_282 = arith.constant 0 : i32
      %dma_wait3A_283 = tpu.memref_slice %arg5[%dma_wait3A_282] : memref<4096xi32, #tpu.memory_space<vmem>> -> memref<8xi32, #tpu.memory_space<vmem>>
      %dma_wait3A_284 = arith.constant 0 : i32
      %dma_wait3A_285 = arith.constant 0 : i32
      %dma_wait3A_286 = tpu.memref_slice %arg2[%dma_wait3A_284, %dma_wait3A_285] : memref<32000x4096xf32, #tpu.memory_space<hbm>> -> memref<32000x4096xf32, #tpu.memory_space<hbm>>
      tpu.wait_indirect_dma semaphore(%arg8 : memref<!tpu.dma_semaphore, #tpu.memory_space<semaphore_mem>>) src(%dma_wait3A_286 : memref<32000x4096xf32, #tpu.memory_space<hbm>>) dst(%dma_wait3A_281 : memref<8x4096xf32, #tpu.memory_space<vmem>>)
      %add3A_287 = arith.constant 1 : i32
      %add3A_288 = arith.addi %mul3A_248, %add3A_287 : i32
      %mul3A_289 = arith.constant 8 : i32
      %mul3A_290 = arith.muli %add3A_288, %mul3A_289 : i32
      %add3A_291 = arith.addi %mul3A_2, %mul3A_290 : i32
      %dma_start3A_292 = arith.constant 1 : i32
      %dma_start3A_293 = arith.constant 0 : i32
      %dma_start3A_294 = arith.constant 0 : i32
      %dma_start3A_295 = tpu.memref_slice %arg6[%dma_start3A_292, %dma_start3A_293, %dma_start3A_294] : memref<3x8x4096xf32, #tpu.memory_space<vmem>> -> memref<1x8x4096xf32, #tpu.memory_space<vmem>>
      %dma_start3A_296 = tpu.memref_squeeze %dma_start3A_295 : memref<1x8x4096xf32, #tpu.memory_space<vmem>> -> memref<8x4096xf32, #tpu.memory_space<vmem>>
      %dma_start3A_297 = arith.constant 0 : i32
      %dma_start3A_298 = tpu.memref_slice %arg4[%add3A_291, %dma_start3A_297] : memref<131072x4096xf32, #tpu.memory_space<hbm>> -> memref<8x4096xf32, #tpu.memory_space<hbm>>
      %dma_start3A_299 = arith.constant 0 : i32
      %dma_start3A_300 = tpu.memref_slice %arg4[%add3A_291, %dma_start3A_299] : memref<131072x4096xf32, #tpu.memory_space<hbm>> -> memref<8x4096xf32, #tpu.memory_space<hbm>>
      %dma_start3A_301 = arith.constant 0 : i32
      %dma_start3A_302 = arith.constant 0 : i32
      %dma_start3A_303 = tpu.memref_slice %arg6[%dma_start3A_292, %dma_start3A_301, %dma_start3A_302] : memref<3x8x4096xf32, #tpu.memory_space<vmem>> -> memref<1x8x4096xf32, #tpu.memory_space<vmem>>
      %dma_start3A_304 = tpu.memref_squeeze %dma_start3A_303 : memref<1x8x4096xf32, #tpu.memory_space<vmem>> -> memref<8x4096xf32, #tpu.memory_space<vmem>>
      tpu.enqueue_dma source(%dma_start3A_304 : memref<8x4096xf32, #tpu.memory_space<vmem>>) target(%dma_start3A_300 : memref<8x4096xf32, #tpu.memory_space<hbm>>) target_semaphore(%arg11 : memref<!tpu.dma_semaphore, #tpu.memory_space<semaphore_mem>>)
      %dma_wait3A_305 = arith.constant 2 : i32
      %dma_wait3A_306 = arith.constant 0 : i32
      %dma_wait3A_307 = arith.constant 0 : i32
      %dma_wait3A_308 = tpu.memref_slice %arg6[%dma_wait3A_305, %dma_wait3A_306, %dma_wait3A_307] : memref<3x8x4096xf32, #tpu.memory_space<vmem>> -> memref<1x8x4096xf32, #tpu.memory_space<vmem>>
      %dma_wait3A_309 = tpu.memref_squeeze %dma_wait3A_308 : memref<1x8x4096xf32, #tpu.memory_space<vmem>> -> memref<8x4096xf32, #tpu.memory_space<vmem>>
      %dma_wait3A_310 = arith.constant 0 : i32
      %dma_wait3A_311 = tpu.memref_slice %arg5[%dma_wait3A_310] : memref<4096xi32, #tpu.memory_space<vmem>> -> memref<8xi32, #tpu.memory_space<vmem>>
      %dma_wait3A_312 = arith.constant 0 : i32
      %dma_wait3A_313 = arith.constant 0 : i32
      %dma_wait3A_314 = tpu.memref_slice %arg2[%dma_wait3A_312, %dma_wait3A_313] : memref<32000x4096xf32, #tpu.memory_space<hbm>> -> memref<32000x4096xf32, #tpu.memory_space<hbm>>
      tpu.wait_indirect_dma semaphore(%arg9 : memref<!tpu.dma_semaphore, #tpu.memory_space<semaphore_mem>>) src(%dma_wait3A_314 : memref<32000x4096xf32, #tpu.memory_space<hbm>>) dst(%dma_wait3A_309 : memref<8x4096xf32, #tpu.memory_space<vmem>>)
      %add3A_315 = arith.constant 2 : i32
      %add3A_316 = arith.addi %mul3A_248, %add3A_315 : i32
      %mul3A_317 = arith.constant 8 : i32
      %mul3A_318 = arith.muli %add3A_316, %mul3A_317 : i32
      %add3A_319 = arith.addi %mul3A_2, %mul3A_318 : i32
      %dma_start3A_320 = arith.constant 2 : i32
      %dma_start3A_321 = arith.constant 0 : i32
      %dma_start3A_322 = arith.constant 0 : i32
      %dma_start3A_323 = tpu.memref_slice %arg6[%dma_start3A_320, %dma_start3A_321, %dma_start3A_322] : memref<3x8x4096xf32, #tpu.memory_space<vmem>> -> memref<1x8x4096xf32, #tpu.memory_space<vmem>>
      %dma_start3A_324 = tpu.memref_squeeze %dma_start3A_323 : memref<1x8x4096xf32, #tpu.memory_space<vmem>> -> memref<8x4096xf32, #tpu.memory_space<vmem>>
      %dma_start3A_325 = arith.constant 0 : i32
      %dma_start3A_326 = tpu.memref_slice %arg4[%add3A_319, %dma_start3A_325] : memref<131072x4096xf32, #tpu.memory_space<hbm>> -> memref<8x4096xf32, #tpu.memory_space<hbm>>
      %dma_start3A_327 = arith.constant 0 : i32
      %dma_start3A_328 = tpu.memref_slice %arg4[%add3A_319, %dma_start3A_327] : memref<131072x4096xf32, #tpu.memory_space<hbm>> -> memref<8x4096xf32, #tpu.memory_space<hbm>>
      %dma_start3A_329 = arith.constant 0 : i32
      %dma_start3A_330 = arith.constant 0 : i32
      %dma_start3A_331 = tpu.memref_slice %arg6[%dma_start3A_320, %dma_start3A_329, %dma_start3A_330] : memref<3x8x4096xf32, #tpu.memory_space<vmem>> -> memref<1x8x4096xf32, #tpu.memory_space<vmem>>
      %dma_start3A_332 = tpu.memref_squeeze %dma_start3A_331 : memref<1x8x4096xf32, #tpu.memory_space<vmem>> -> memref<8x4096xf32, #tpu.memory_space<vmem>>
      tpu.enqueue_dma source(%dma_start3A_332 : memref<8x4096xf32, #tpu.memory_space<vmem>>) target(%dma_start3A_328 : memref<8x4096xf32, #tpu.memory_space<hbm>>) target_semaphore(%arg12 : memref<!tpu.dma_semaphore, #tpu.memory_space<semaphore_mem>>)
      %dma_wait3A_333 = arith.constant 0 : i32
      %dma_wait3A_334 = arith.constant 0 : i32
      %dma_wait3A_335 = arith.constant 0 : i32
      %dma_wait3A_336 = tpu.memref_slice %arg6[%dma_wait3A_333, %dma_wait3A_334, %dma_wait3A_335] : memref<3x8x4096xf32, #tpu.memory_space<vmem>> -> memref<1x8x4096xf32, #tpu.memory_space<vmem>>
      %dma_wait3A_337 = tpu.memref_squeeze %dma_wait3A_336 : memref<1x8x4096xf32, #tpu.memory_space<vmem>> -> memref<8x4096xf32, #tpu.memory_space<vmem>>
      %dma_wait3A_338 = arith.constant 0 : i32
      %dma_wait3A_339 = tpu.memref_slice %arg4[%mul3A_2, %dma_wait3A_338] : memref<131072x4096xf32, #tpu.memory_space<hbm>> -> memref<8x4096xf32, #tpu.memory_space<hbm>>
      %dma_wait3A_340 = arith.constant 0 : i32
      %dma_wait3A_341 = tpu.memref_slice %arg4[%mul3A_2, %dma_wait3A_340] : memref<131072x4096xf32, #tpu.memory_space<hbm>> -> memref<8x4096xf32, #tpu.memory_space<hbm>>
      %dma_wait3A_342 = arith.constant 0 : i32
      %dma_wait3A_343 = arith.constant 0 : i32
      %dma_wait3A_344 = tpu.memref_slice %arg6[%dma_wait3A_333, %dma_wait3A_342, %dma_wait3A_343] : memref<3x8x4096xf32, #tpu.memory_space<vmem>> -> memref<1x8x4096xf32, #tpu.memory_space<vmem>>
      %dma_wait3A_345 = tpu.memref_squeeze %dma_wait3A_344 : memref<1x8x4096xf32, #tpu.memory_space<vmem>> -> memref<8x4096xf32, #tpu.memory_space<vmem>>
      tpu.wait_dma2 semaphore(%arg10 : memref<!tpu.dma_semaphore, #tpu.memory_space<semaphore_mem>>) src(%dma_wait3A_345 : memref<8x4096xf32, #tpu.memory_space<vmem>>) dst(%dma_wait3A_341 : memref<8x4096xf32, #tpu.memory_space<hbm>>)
      %add3A_346 = arith.constant 3 : i32
      %add3A_347 = arith.addi %mul3A_248, %add3A_346 : i32
      %add3A_348 = arith.constant 0 : i32
      %add3A_349 = arith.addi %add3A_347, %add3A_348 : i32
      %mul3A_350 = arith.constant 8 : i32
      %mul3A_351 = arith.muli %add3A_349, %mul3A_350 : i32
      %dma_start3A_352 = arith.constant 0 : i32
      %dma_start3A_353 = arith.constant 0 : i32
      %dma_start3A_354 = arith.constant 0 : i32
      %dma_start3A_355 = tpu.memref_slice %arg6[%dma_start3A_352, %dma_start3A_353, %dma_start3A_354] : memref<3x8x4096xf32, #tpu.memory_space<vmem>> -> memref<1x8x4096xf32, #tpu.memory_space<vmem>>
      %dma_start3A_356 = tpu.memref_squeeze %dma_start3A_355 : memref<1x8x4096xf32, #tpu.memory_space<vmem>> -> memref<8x4096xf32, #tpu.memory_space<vmem>>
      %dma_start3A_357 = tpu.memref_slice %arg5[%mul3A_351] : memref<4096xi32, #tpu.memory_space<vmem>> -> memref<8xi32, #tpu.memory_space<vmem>>
      %dma_start3A_358 = arith.constant 0 : i32
      %dma_start3A_359 = arith.constant 0 : i32
      %dma_start3A_360 = tpu.memref_slice %arg2[%dma_start3A_358, %dma_start3A_359] : memref<32000x4096xf32, #tpu.memory_space<hbm>> -> memref<32000x4096xf32, #tpu.memory_space<hbm>>
      tpu.enqueue_indirect_dma source(%dma_start3A_360 : memref<32000x4096xf32, #tpu.memory_space<hbm>>) target(%dma_start3A_356 : memref<8x4096xf32, #tpu.memory_space<vmem>>) offsets(%dma_start3A_357 : memref<8xi32, #tpu.memory_space<vmem>>) semaphore(%arg7 : memref<!tpu.dma_semaphore, #tpu.memory_space<semaphore_mem>>)
      %dma_wait3A_361 = arith.constant 1 : i32
      %dma_wait3A_362 = arith.constant 0 : i32
      %dma_wait3A_363 = arith.constant 0 : i32
      %dma_wait3A_364 = tpu.memref_slice %arg6[%dma_wait3A_361, %dma_wait3A_362, %dma_wait3A_363] : memref<3x8x4096xf32, #tpu.memory_space<vmem>> -> memref<1x8x4096xf32, #tpu.memory_space<vmem>>
      %dma_wait3A_365 = tpu.memref_squeeze %dma_wait3A_364 : memref<1x8x4096xf32, #tpu.memory_space<vmem>> -> memref<8x4096xf32, #tpu.memory_space<vmem>>
      %dma_wait3A_366 = arith.constant 0 : i32
      %dma_wait3A_367 = tpu.memref_slice %arg4[%mul3A_2, %dma_wait3A_366] : memref<131072x4096xf32, #tpu.memory_space<hbm>> -> memref<8x4096xf32, #tpu.memory_space<hbm>>
      %dma_wait3A_368 = arith.constant 0 : i32
      %dma_wait3A_369 = tpu.memref_slice %arg4[%mul3A_2, %dma_wait3A_368] : memref<131072x4096xf32, #tpu.memory_space<hbm>> -> memref<8x4096xf32, #tpu.memory_space<hbm>>
      %dma_wait3A_370 = arith.constant 0 : i32
      %dma_wait3A_371 = arith.constant 0 : i32
      %dma_wait3A_372 = tpu.memref_slice %arg6[%dma_wait3A_361, %dma_wait3A_370, %dma_wait3A_371] : memref<3x8x4096xf32, #tpu.memory_space<vmem>> -> memref<1x8x4096xf32, #tpu.memory_space<vmem>>
      %dma_wait3A_373 = tpu.memref_squeeze %dma_wait3A_372 : memref<1x8x4096xf32, #tpu.memory_space<vmem>> -> memref<8x4096xf32, #tpu.memory_space<vmem>>
      tpu.wait_dma2 semaphore(%arg11 : memref<!tpu.dma_semaphore, #tpu.memory_space<semaphore_mem>>) src(%dma_wait3A_373 : memref<8x4096xf32, #tpu.memory_space<vmem>>) dst(%dma_wait3A_369 : memref<8x4096xf32, #tpu.memory_space<hbm>>)
      %add3A_374 = arith.constant 3 : i32
      %add3A_375 = arith.addi %mul3A_248, %add3A_374 : i32
      %add3A_376 = arith.constant 1 : i32
      %add3A_377 = arith.addi %add3A_375, %add3A_376 : i32
      %mul3A_378 = arith.constant 8 : i32
      %mul3A_379 = arith.muli %add3A_377, %mul3A_378 : i32
      %dma_start3A_380 = arith.constant 1 : i32
      %dma_start3A_381 = arith.constant 0 : i32
      %dma_start3A_382 = arith.constant 0 : i32
      %dma_start3A_383 = tpu.memref_slice %arg6[%dma_start3A_380, %dma_start3A_381, %dma_start3A_382] : memref<3x8x4096xf32, #tpu.memory_space<vmem>> -> memref<1x8x4096xf32, #tpu.memory_space<vmem>>
      %dma_start3A_384 = tpu.memref_squeeze %dma_start3A_383 : memref<1x8x4096xf32, #tpu.memory_space<vmem>> -> memref<8x4096xf32, #tpu.memory_space<vmem>>
      %dma_start3A_385 = tpu.memref_slice %arg5[%mul3A_379] : memref<4096xi32, #tpu.memory_space<vmem>> -> memref<8xi32, #tpu.memory_space<vmem>>
      %dma_start3A_386 = arith.constant 0 : i32
      %dma_start3A_387 = arith.constant 0 : i32
      %dma_start3A_388 = tpu.memref_slice %arg2[%dma_start3A_386, %dma_start3A_387] : memref<32000x4096xf32, #tpu.memory_space<hbm>> -> memref<32000x4096xf32, #tpu.memory_space<hbm>>
      tpu.enqueue_indirect_dma source(%dma_start3A_388 : memref<32000x4096xf32, #tpu.memory_space<hbm>>) target(%dma_start3A_384 : memref<8x4096xf32, #tpu.memory_space<vmem>>) offsets(%dma_start3A_385 : memref<8xi32, #tpu.memory_space<vmem>>) semaphore(%arg8 : memref<!tpu.dma_semaphore, #tpu.memory_space<semaphore_mem>>)
      %dma_wait3A_389 = arith.constant 2 : i32
      %dma_wait3A_390 = arith.constant 0 : i32
      %dma_wait3A_391 = arith.constant 0 : i32
      %dma_wait3A_392 = tpu.memref_slice %arg6[%dma_wait3A_389, %dma_wait3A_390, %dma_wait3A_391] : memref<3x8x4096xf32, #tpu.memory_space<vmem>> -> memref<1x8x4096xf32, #tpu.memory_space<vmem>>
      %dma_wait3A_393 = tpu.memref_squeeze %dma_wait3A_392 : memref<1x8x4096xf32, #tpu.memory_space<vmem>> -> memref<8x4096xf32, #tpu.memory_space<vmem>>
      %dma_wait3A_394 = arith.constant 0 : i32
      %dma_wait3A_395 = tpu.memref_slice %arg4[%mul3A_2, %dma_wait3A_394] : memref<131072x4096xf32, #tpu.memory_space<hbm>> -> memref<8x4096xf32, #tpu.memory_space<hbm>>
      %dma_wait3A_396 = arith.constant 0 : i32
      %dma_wait3A_397 = tpu.memref_slice %arg4[%mul3A_2, %dma_wait3A_396] : memref<131072x4096xf32, #tpu.memory_space<hbm>> -> memref<8x4096xf32, #tpu.memory_space<hbm>>
      %dma_wait3A_398 = arith.constant 0 : i32
      %dma_wait3A_399 = arith.constant 0 : i32
      %dma_wait3A_400 = tpu.memref_slice %arg6[%dma_wait3A_389, %dma_wait3A_398, %dma_wait3A_399] : memref<3x8x4096xf32, #tpu.memory_space<vmem>> -> memref<1x8x4096xf32, #tpu.memory_space<vmem>>
      %dma_wait3A_401 = tpu.memref_squeeze %dma_wait3A_400 : memref<1x8x4096xf32, #tpu.memory_space<vmem>> -> memref<8x4096xf32, #tpu.memory_space<vmem>>
      tpu.wait_dma2 semaphore(%arg12 : memref<!tpu.dma_semaphore, #tpu.memory_space<semaphore_mem>>) src(%dma_wait3A_401 : memref<8x4096xf32, #tpu.memory_space<vmem>>) dst(%dma_wait3A_397 : memref<8x4096xf32, #tpu.memory_space<hbm>>)
      %add3A_402 = arith.constant 3 : i32
      %add3A_403 = arith.addi %mul3A_248, %add3A_402 : i32
      %add3A_404 = arith.constant 2 : i32
      %add3A_405 = arith.addi %add3A_403, %add3A_404 : i32
      %mul3A_406 = arith.constant 8 : i32
      %mul3A_407 = arith.muli %add3A_405, %mul3A_406 : i32
      %dma_start3A_408 = arith.constant 2 : i32
      %dma_start3A_409 = arith.constant 0 : i32
      %dma_start3A_410 = arith.constant 0 : i32
      %dma_start3A_411 = tpu.memref_slice %arg6[%dma_start3A_408, %dma_start3A_409, %dma_start3A_410] : memref<3x8x4096xf32, #tpu.memory_space<vmem>> -> memref<1x8x4096xf32, #tpu.memory_space<vmem>>
      %dma_start3A_412 = tpu.memref_squeeze %dma_start3A_411 : memref<1x8x4096xf32, #tpu.memory_space<vmem>> -> memref<8x4096xf32, #tpu.memory_space<vmem>>
      %dma_start3A_413 = tpu.memref_slice %arg5[%mul3A_407] : memref<4096xi32, #tpu.memory_space<vmem>> -> memref<8xi32, #tpu.memory_space<vmem>>
      %dma_start3A_414 = arith.constant 0 : i32
      %dma_start3A_415 = arith.constant 0 : i32
      %dma_start3A_416 = tpu.memref_slice %arg2[%dma_start3A_414, %dma_start3A_415] : memref<32000x4096xf32, #tpu.memory_space<hbm>> -> memref<32000x4096xf32, #tpu.memory_space<hbm>>
      tpu.enqueue_indirect_dma source(%dma_start3A_416 : memref<32000x4096xf32, #tpu.memory_space<hbm>>) target(%dma_start3A_412 : memref<8x4096xf32, #tpu.memory_space<vmem>>) offsets(%dma_start3A_413 : memref<8xi32, #tpu.memory_space<vmem>>) semaphore(%arg9 : memref<!tpu.dma_semaphore, #tpu.memory_space<semaphore_mem>>)
    }
    %scan3A_36 = arith.constant 169 : i32
    %dma_wait3A = arith.constant 0 : i32
    %dma_wait3A_37 = arith.constant 0 : i32
    %dma_wait3A_38 = arith.constant 0 : i32
    %dma_wait3A_39 = tpu.memref_slice %arg6[%dma_wait3A, %dma_wait3A_37, %dma_wait3A_38] : memref<3x8x4096xf32, #tpu.memory_space<vmem>> -> memref<1x8x4096xf32, #tpu.memory_space<vmem>>
    %dma_wait3A_40 = tpu.memref_squeeze %dma_wait3A_39 : memref<1x8x4096xf32, #tpu.memory_space<vmem>> -> memref<8x4096xf32, #tpu.memory_space<vmem>>
    %dma_wait3A_41 = arith.constant 0 : i32
    %dma_wait3A_42 = tpu.memref_slice %arg5[%dma_wait3A_41] : memref<4096xi32, #tpu.memory_space<vmem>> -> memref<8xi32, #tpu.memory_space<vmem>>
    %dma_wait3A_43 = arith.constant 0 : i32
    %dma_wait3A_44 = arith.constant 0 : i32
    %dma_wait3A_45 = tpu.memref_slice %arg2[%dma_wait3A_43, %dma_wait3A_44] : memref<32000x4096xf32, #tpu.memory_space<hbm>> -> memref<32000x4096xf32, #tpu.memory_space<hbm>>
    tpu.wait_indirect_dma semaphore(%arg7 : memref<!tpu.dma_semaphore, #tpu.memory_space<semaphore_mem>>) src(%dma_wait3A_45 : memref<32000x4096xf32, #tpu.memory_space<hbm>>) dst(%dma_wait3A_40 : memref<8x4096xf32, #tpu.memory_space<vmem>>)
    %add3A_46 = arith.constant 4056 : i32
    %add3A_47 = arith.addi %mul3A_2, %add3A_46 : i32
    %dma_start3A_48 = arith.constant 0 : i32
    %dma_start3A_49 = arith.constant 0 : i32
    %dma_start3A_50 = arith.constant 0 : i32
    %dma_start3A_51 = tpu.memref_slice %arg6[%dma_start3A_48, %dma_start3A_49, %dma_start3A_50] : memref<3x8x4096xf32, #tpu.memory_space<vmem>> -> memref<1x8x4096xf32, #tpu.memory_space<vmem>>
    %dma_start3A_52 = tpu.memref_squeeze %dma_start3A_51 : memref<1x8x4096xf32, #tpu.memory_space<vmem>> -> memref<8x4096xf32, #tpu.memory_space<vmem>>
    %dma_start3A_53 = arith.constant 0 : i32
    %dma_start3A_54 = tpu.memref_slice %arg4[%add3A_47, %dma_start3A_53] : memref<131072x4096xf32, #tpu.memory_space<hbm>> -> memref<8x4096xf32, #tpu.memory_space<hbm>>
    %dma_start3A_55 = arith.constant 0 : i32
    %dma_start3A_56 = tpu.memref_slice %arg4[%add3A_47, %dma_start3A_55] : memref<131072x4096xf32, #tpu.memory_space<hbm>> -> memref<8x4096xf32, #tpu.memory_space<hbm>>
    %dma_start3A_57 = arith.constant 0 : i32
    %dma_start3A_58 = arith.constant 0 : i32
    %dma_start3A_59 = tpu.memref_slice %arg6[%dma_start3A_48, %dma_start3A_57, %dma_start3A_58] : memref<3x8x4096xf32, #tpu.memory_space<vmem>> -> memref<1x8x4096xf32, #tpu.memory_space<vmem>>
    %dma_start3A_60 = tpu.memref_squeeze %dma_start3A_59 : memref<1x8x4096xf32, #tpu.memory_space<vmem>> -> memref<8x4096xf32, #tpu.memory_space<vmem>>
    tpu.enqueue_dma source(%dma_start3A_60 : memref<8x4096xf32, #tpu.memory_space<vmem>>) target(%dma_start3A_56 : memref<8x4096xf32, #tpu.memory_space<hbm>>) target_semaphore(%arg10 : memref<!tpu.dma_semaphore, #tpu.memory_space<semaphore_mem>>)
    %dma_wait3A_61 = arith.constant 0 : i32
    %dma_wait3A_62 = arith.constant 0 : i32
    %dma_wait3A_63 = arith.constant 0 : i32
    %dma_wait3A_64 = tpu.memref_slice %arg6[%dma_wait3A_61, %dma_wait3A_62, %dma_wait3A_63] : memref<3x8x4096xf32, #tpu.memory_space<vmem>> -> memref<1x8x4096xf32, #tpu.memory_space<vmem>>
    %dma_wait3A_65 = tpu.memref_squeeze %dma_wait3A_64 : memref<1x8x4096xf32, #tpu.memory_space<vmem>> -> memref<8x4096xf32, #tpu.memory_space<vmem>>
    %dma_wait3A_66 = arith.constant 0 : i32
    %dma_wait3A_67 = tpu.memref_slice %arg4[%mul3A_2, %dma_wait3A_66] : memref<131072x4096xf32, #tpu.memory_space<hbm>> -> memref<8x4096xf32, #tpu.memory_space<hbm>>
    %dma_wait3A_68 = arith.constant 0 : i32
    %dma_wait3A_69 = tpu.memref_slice %arg4[%mul3A_2, %dma_wait3A_68] : memref<131072x4096xf32, #tpu.memory_space<hbm>> -> memref<8x4096xf32, #tpu.memory_space<hbm>>
    %dma_wait3A_70 = arith.constant 0 : i32
    %dma_wait3A_71 = arith.constant 0 : i32
    %dma_wait3A_72 = tpu.memref_slice %arg6[%dma_wait3A_61, %dma_wait3A_70, %dma_wait3A_71] : memref<3x8x4096xf32, #tpu.memory_space<vmem>> -> memref<1x8x4096xf32, #tpu.memory_space<vmem>>
    %dma_wait3A_73 = tpu.memref_squeeze %dma_wait3A_72 : memref<1x8x4096xf32, #tpu.memory_space<vmem>> -> memref<8x4096xf32, #tpu.memory_space<vmem>>
    tpu.wait_dma2 semaphore(%arg10 : memref<!tpu.dma_semaphore, #tpu.memory_space<semaphore_mem>>) src(%dma_wait3A_73 : memref<8x4096xf32, #tpu.memory_space<vmem>>) dst(%dma_wait3A_69 : memref<8x4096xf32, #tpu.memory_space<hbm>>)
    %dma_start3A_74 = arith.constant 0 : i32
    %dma_start3A_75 = arith.constant 0 : i32
    %dma_start3A_76 = arith.constant 0 : i32
    %dma_start3A_77 = tpu.memref_slice %arg6[%dma_start3A_74, %dma_start3A_75, %dma_start3A_76] : memref<3x8x4096xf32, #tpu.memory_space<vmem>> -> memref<1x8x4096xf32, #tpu.memory_space<vmem>>
    %dma_start3A_78 = tpu.memref_squeeze %dma_start3A_77 : memref<1x8x4096xf32, #tpu.memory_space<vmem>> -> memref<8x4096xf32, #tpu.memory_space<vmem>>
    %dma_start3A_79 = arith.constant 4080 : i32
    %dma_start3A_80 = tpu.memref_slice %arg5[%dma_start3A_79] : memref<4096xi32, #tpu.memory_space<vmem>> -> memref<8xi32, #tpu.memory_space<vmem>>
    %dma_start3A_81 = arith.constant 0 : i32
    %dma_start3A_82 = arith.constant 0 : i32
    %dma_start3A_83 = tpu.memref_slice %arg2[%dma_start3A_81, %dma_start3A_82] : memref<32000x4096xf32, #tpu.memory_space<hbm>> -> memref<32000x4096xf32, #tpu.memory_space<hbm>>
    tpu.enqueue_indirect_dma source(%dma_start3A_83 : memref<32000x4096xf32, #tpu.memory_space<hbm>>) target(%dma_start3A_78 : memref<8x4096xf32, #tpu.memory_space<vmem>>) offsets(%dma_start3A_80 : memref<8xi32, #tpu.memory_space<vmem>>) semaphore(%arg7 : memref<!tpu.dma_semaphore, #tpu.memory_space<semaphore_mem>>)
    %dma_wait3A_84 = arith.constant 1 : i32
    %dma_wait3A_85 = arith.constant 0 : i32
    %dma_wait3A_86 = arith.constant 0 : i32
    %dma_wait3A_87 = tpu.memref_slice %arg6[%dma_wait3A_84, %dma_wait3A_85, %dma_wait3A_86] : memref<3x8x4096xf32, #tpu.memory_space<vmem>> -> memref<1x8x4096xf32, #tpu.memory_space<vmem>>
    %dma_wait3A_88 = tpu.memref_squeeze %dma_wait3A_87 : memref<1x8x4096xf32, #tpu.memory_space<vmem>> -> memref<8x4096xf32, #tpu.memory_space<vmem>>
    %dma_wait3A_89 = arith.constant 0 : i32
    %dma_wait3A_90 = tpu.memref_slice %arg5[%dma_wait3A_89] : memref<4096xi32, #tpu.memory_space<vmem>> -> memref<8xi32, #tpu.memory_space<vmem>>
    %dma_wait3A_91 = arith.constant 0 : i32
    %dma_wait3A_92 = arith.constant 0 : i32
    %dma_wait3A_93 = tpu.memref_slice %arg2[%dma_wait3A_91, %dma_wait3A_92] : memref<32000x4096xf32, #tpu.memory_space<hbm>> -> memref<32000x4096xf32, #tpu.memory_space<hbm>>
    tpu.wait_indirect_dma semaphore(%arg8 : memref<!tpu.dma_semaphore, #tpu.memory_space<semaphore_mem>>) src(%dma_wait3A_93 : memref<32000x4096xf32, #tpu.memory_space<hbm>>) dst(%dma_wait3A_88 : memref<8x4096xf32, #tpu.memory_space<vmem>>)
    %add3A_94 = arith.constant 4064 : i32
    %add3A_95 = arith.addi %mul3A_2, %add3A_94 : i32
    %dma_start3A_96 = arith.constant 1 : i32
    %dma_start3A_97 = arith.constant 0 : i32
    %dma_start3A_98 = arith.constant 0 : i32
    %dma_start3A_99 = tpu.memref_slice %arg6[%dma_start3A_96, %dma_start3A_97, %dma_start3A_98] : memref<3x8x4096xf32, #tpu.memory_space<vmem>> -> memref<1x8x4096xf32, #tpu.memory_space<vmem>>
    %dma_start3A_100 = tpu.memref_squeeze %dma_start3A_99 : memref<1x8x4096xf32, #tpu.memory_space<vmem>> -> memref<8x4096xf32, #tpu.memory_space<vmem>>
    %dma_start3A_101 = arith.constant 0 : i32
    %dma_start3A_102 = tpu.memref_slice %arg4[%add3A_95, %dma_start3A_101] : memref<131072x4096xf32, #tpu.memory_space<hbm>> -> memref<8x4096xf32, #tpu.memory_space<hbm>>
    %dma_start3A_103 = arith.constant 0 : i32
    %dma_start3A_104 = tpu.memref_slice %arg4[%add3A_95, %dma_start3A_103] : memref<131072x4096xf32, #tpu.memory_space<hbm>> -> memref<8x4096xf32, #tpu.memory_space<hbm>>
    %dma_start3A_105 = arith.constant 0 : i32
    %dma_start3A_106 = arith.constant 0 : i32
    %dma_start3A_107 = tpu.memref_slice %arg6[%dma_start3A_96, %dma_start3A_105, %dma_start3A_106] : memref<3x8x4096xf32, #tpu.memory_space<vmem>> -> memref<1x8x4096xf32, #tpu.memory_space<vmem>>
    %dma_start3A_108 = tpu.memref_squeeze %dma_start3A_107 : memref<1x8x4096xf32, #tpu.memory_space<vmem>> -> memref<8x4096xf32, #tpu.memory_space<vmem>>
    tpu.enqueue_dma source(%dma_start3A_108 : memref<8x4096xf32, #tpu.memory_space<vmem>>) target(%dma_start3A_104 : memref<8x4096xf32, #tpu.memory_space<hbm>>) target_semaphore(%arg11 : memref<!tpu.dma_semaphore, #tpu.memory_space<semaphore_mem>>)
    %dma_wait3A_109 = arith.constant 1 : i32
    %dma_wait3A_110 = arith.constant 0 : i32
    %dma_wait3A_111 = arith.constant 0 : i32
    %dma_wait3A_112 = tpu.memref_slice %arg6[%dma_wait3A_109, %dma_wait3A_110, %dma_wait3A_111] : memref<3x8x4096xf32, #tpu.memory_space<vmem>> -> memref<1x8x4096xf32, #tpu.memory_space<vmem>>
    %dma_wait3A_113 = tpu.memref_squeeze %dma_wait3A_112 : memref<1x8x4096xf32, #tpu.memory_space<vmem>> -> memref<8x4096xf32, #tpu.memory_space<vmem>>
    %dma_wait3A_114 = arith.constant 0 : i32
    %dma_wait3A_115 = tpu.memref_slice %arg4[%mul3A_2, %dma_wait3A_114] : memref<131072x4096xf32, #tpu.memory_space<hbm>> -> memref<8x4096xf32, #tpu.memory_space<hbm>>
    %dma_wait3A_116 = arith.constant 0 : i32
    %dma_wait3A_117 = tpu.memref_slice %arg4[%mul3A_2, %dma_wait3A_116] : memref<131072x4096xf32, #tpu.memory_space<hbm>> -> memref<8x4096xf32, #tpu.memory_space<hbm>>
    %dma_wait3A_118 = arith.constant 0 : i32
    %dma_wait3A_119 = arith.constant 0 : i32
    %dma_wait3A_120 = tpu.memref_slice %arg6[%dma_wait3A_109, %dma_wait3A_118, %dma_wait3A_119] : memref<3x8x4096xf32, #tpu.memory_space<vmem>> -> memref<1x8x4096xf32, #tpu.memory_space<vmem>>
    %dma_wait3A_121 = tpu.memref_squeeze %dma_wait3A_120 : memref<1x8x4096xf32, #tpu.memory_space<vmem>> -> memref<8x4096xf32, #tpu.memory_space<vmem>>
    tpu.wait_dma2 semaphore(%arg11 : memref<!tpu.dma_semaphore, #tpu.memory_space<semaphore_mem>>) src(%dma_wait3A_121 : memref<8x4096xf32, #tpu.memory_space<vmem>>) dst(%dma_wait3A_117 : memref<8x4096xf32, #tpu.memory_space<hbm>>)
    %dma_start3A_122 = arith.constant 1 : i32
    %dma_start3A_123 = arith.constant 0 : i32
    %dma_start3A_124 = arith.constant 0 : i32
    %dma_start3A_125 = tpu.memref_slice %arg6[%dma_start3A_122, %dma_start3A_123, %dma_start3A_124] : memref<3x8x4096xf32, #tpu.memory_space<vmem>> -> memref<1x8x4096xf32, #tpu.memory_space<vmem>>
    %dma_start3A_126 = tpu.memref_squeeze %dma_start3A_125 : memref<1x8x4096xf32, #tpu.memory_space<vmem>> -> memref<8x4096xf32, #tpu.memory_space<vmem>>
    %dma_start3A_127 = arith.constant 4088 : i32
    %dma_start3A_128 = tpu.memref_slice %arg5[%dma_start3A_127] : memref<4096xi32, #tpu.memory_space<vmem>> -> memref<8xi32, #tpu.memory_space<vmem>>
    %dma_start3A_129 = arith.constant 0 : i32
    %dma_start3A_130 = arith.constant 0 : i32
    %dma_start3A_131 = tpu.memref_slice %arg2[%dma_start3A_129, %dma_start3A_130] : memref<32000x4096xf32, #tpu.memory_space<hbm>> -> memref<32000x4096xf32, #tpu.memory_space<hbm>>
    tpu.enqueue_indirect_dma source(%dma_start3A_131 : memref<32000x4096xf32, #tpu.memory_space<hbm>>) target(%dma_start3A_126 : memref<8x4096xf32, #tpu.memory_space<vmem>>) offsets(%dma_start3A_128 : memref<8xi32, #tpu.memory_space<vmem>>) semaphore(%arg8 : memref<!tpu.dma_semaphore, #tpu.memory_space<semaphore_mem>>)
    %dma_wait3A_132 = arith.constant 2 : i32
    %dma_wait3A_133 = arith.constant 0 : i32
    %dma_wait3A_134 = arith.constant 0 : i32
    %dma_wait3A_135 = tpu.memref_slice %arg6[%dma_wait3A_132, %dma_wait3A_133, %dma_wait3A_134] : memref<3x8x4096xf32, #tpu.memory_space<vmem>> -> memref<1x8x4096xf32, #tpu.memory_space<vmem>>
    %dma_wait3A_136 = tpu.memref_squeeze %dma_wait3A_135 : memref<1x8x4096xf32, #tpu.memory_space<vmem>> -> memref<8x4096xf32, #tpu.memory_space<vmem>>
    %dma_wait3A_137 = arith.constant 0 : i32
    %dma_wait3A_138 = tpu.memref_slice %arg5[%dma_wait3A_137] : memref<4096xi32, #tpu.memory_space<vmem>> -> memref<8xi32, #tpu.memory_space<vmem>>
    %dma_wait3A_139 = arith.constant 0 : i32
    %dma_wait3A_140 = arith.constant 0 : i32
    %dma_wait3A_141 = tpu.memref_slice %arg2[%dma_wait3A_139, %dma_wait3A_140] : memref<32000x4096xf32, #tpu.memory_space<hbm>> -> memref<32000x4096xf32, #tpu.memory_space<hbm>>
    tpu.wait_indirect_dma semaphore(%arg9 : memref<!tpu.dma_semaphore, #tpu.memory_space<semaphore_mem>>) src(%dma_wait3A_141 : memref<32000x4096xf32, #tpu.memory_space<hbm>>) dst(%dma_wait3A_136 : memref<8x4096xf32, #tpu.memory_space<vmem>>)
    %add3A_142 = arith.constant 4072 : i32
    %add3A_143 = arith.addi %mul3A_2, %add3A_142 : i32
    %dma_start3A_144 = arith.constant 2 : i32
    %dma_start3A_145 = arith.constant 0 : i32
    %dma_start3A_146 = arith.constant 0 : i32
    %dma_start3A_147 = tpu.memref_slice %arg6[%dma_start3A_144, %dma_start3A_145, %dma_start3A_146] : memref<3x8x4096xf32, #tpu.memory_space<vmem>> -> memref<1x8x4096xf32, #tpu.memory_space<vmem>>
    %dma_start3A_148 = tpu.memref_squeeze %dma_start3A_147 : memref<1x8x4096xf32, #tpu.memory_space<vmem>> -> memref<8x4096xf32, #tpu.memory_space<vmem>>
    %dma_start3A_149 = arith.constant 0 : i32
    %dma_start3A_150 = tpu.memref_slice %arg4[%add3A_143, %dma_start3A_149] : memref<131072x4096xf32, #tpu.memory_space<hbm>> -> memref<8x4096xf32, #tpu.memory_space<hbm>>
    %dma_start3A_151 = arith.constant 0 : i32
    %dma_start3A_152 = tpu.memref_slice %arg4[%add3A_143, %dma_start3A_151] : memref<131072x4096xf32, #tpu.memory_space<hbm>> -> memref<8x4096xf32, #tpu.memory_space<hbm>>
    %dma_start3A_153 = arith.constant 0 : i32
    %dma_start3A_154 = arith.constant 0 : i32
    %dma_start3A_155 = tpu.memref_slice %arg6[%dma_start3A_144, %dma_start3A_153, %dma_start3A_154] : memref<3x8x4096xf32, #tpu.memory_space<vmem>> -> memref<1x8x4096xf32, #tpu.memory_space<vmem>>
    %dma_start3A_156 = tpu.memref_squeeze %dma_start3A_155 : memref<1x8x4096xf32, #tpu.memory_space<vmem>> -> memref<8x4096xf32, #tpu.memory_space<vmem>>
    tpu.enqueue_dma source(%dma_start3A_156 : memref<8x4096xf32, #tpu.memory_space<vmem>>) target(%dma_start3A_152 : memref<8x4096xf32, #tpu.memory_space<hbm>>) target_semaphore(%arg12 : memref<!tpu.dma_semaphore, #tpu.memory_space<semaphore_mem>>)
    %dma_wait3A_157 = arith.constant 0 : i32
    %dma_wait3A_158 = arith.constant 0 : i32
    %dma_wait3A_159 = arith.constant 0 : i32
    %dma_wait3A_160 = tpu.memref_slice %arg6[%dma_wait3A_157, %dma_wait3A_158, %dma_wait3A_159] : memref<3x8x4096xf32, #tpu.memory_space<vmem>> -> memref<1x8x4096xf32, #tpu.memory_space<vmem>>
    %dma_wait3A_161 = tpu.memref_squeeze %dma_wait3A_160 : memref<1x8x4096xf32, #tpu.memory_space<vmem>> -> memref<8x4096xf32, #tpu.memory_space<vmem>>
    %dma_wait3A_162 = arith.constant 0 : i32
    %dma_wait3A_163 = tpu.memref_slice %arg5[%dma_wait3A_162] : memref<4096xi32, #tpu.memory_space<vmem>> -> memref<8xi32, #tpu.memory_space<vmem>>
    %dma_wait3A_164 = arith.constant 0 : i32
    %dma_wait3A_165 = arith.constant 0 : i32
    %dma_wait3A_166 = tpu.memref_slice %arg2[%dma_wait3A_164, %dma_wait3A_165] : memref<32000x4096xf32, #tpu.memory_space<hbm>> -> memref<32000x4096xf32, #tpu.memory_space<hbm>>
    tpu.wait_indirect_dma semaphore(%arg7 : memref<!tpu.dma_semaphore, #tpu.memory_space<semaphore_mem>>) src(%dma_wait3A_166 : memref<32000x4096xf32, #tpu.memory_space<hbm>>) dst(%dma_wait3A_161 : memref<8x4096xf32, #tpu.memory_space<vmem>>)
    %add3A_167 = arith.constant 4080 : i32
    %add3A_168 = arith.addi %mul3A_2, %add3A_167 : i32
    %dma_start3A_169 = arith.constant 0 : i32
    %dma_start3A_170 = arith.constant 0 : i32
    %dma_start3A_171 = arith.constant 0 : i32
    %dma_start3A_172 = tpu.memref_slice %arg6[%dma_start3A_169, %dma_start3A_170, %dma_start3A_171] : memref<3x8x4096xf32, #tpu.memory_space<vmem>> -> memref<1x8x4096xf32, #tpu.memory_space<vmem>>
    %dma_start3A_173 = tpu.memref_squeeze %dma_start3A_172 : memref<1x8x4096xf32, #tpu.memory_space<vmem>> -> memref<8x4096xf32, #tpu.memory_space<vmem>>
    %dma_start3A_174 = arith.constant 0 : i32
    %dma_start3A_175 = tpu.memref_slice %arg4[%add3A_168, %dma_start3A_174] : memref<131072x4096xf32, #tpu.memory_space<hbm>> -> memref<8x4096xf32, #tpu.memory_space<hbm>>
    %dma_start3A_176 = arith.constant 0 : i32
    %dma_start3A_177 = tpu.memref_slice %arg4[%add3A_168, %dma_start3A_176] : memref<131072x4096xf32, #tpu.memory_space<hbm>> -> memref<8x4096xf32, #tpu.memory_space<hbm>>
    %dma_start3A_178 = arith.constant 0 : i32
    %dma_start3A_179 = arith.constant 0 : i32
    %dma_start3A_180 = tpu.memref_slice %arg6[%dma_start3A_169, %dma_start3A_178, %dma_start3A_179] : memref<3x8x4096xf32, #tpu.memory_space<vmem>> -> memref<1x8x4096xf32, #tpu.memory_space<vmem>>
    %dma_start3A_181 = tpu.memref_squeeze %dma_start3A_180 : memref<1x8x4096xf32, #tpu.memory_space<vmem>> -> memref<8x4096xf32, #tpu.memory_space<vmem>>
    tpu.enqueue_dma source(%dma_start3A_181 : memref<8x4096xf32, #tpu.memory_space<vmem>>) target(%dma_start3A_177 : memref<8x4096xf32, #tpu.memory_space<hbm>>) target_semaphore(%arg10 : memref<!tpu.dma_semaphore, #tpu.memory_space<semaphore_mem>>)
    %dma_wait3A_182 = arith.constant 1 : i32
    %dma_wait3A_183 = arith.constant 0 : i32
    %dma_wait3A_184 = arith.constant 0 : i32
    %dma_wait3A_185 = tpu.memref_slice %arg6[%dma_wait3A_182, %dma_wait3A_183, %dma_wait3A_184] : memref<3x8x4096xf32, #tpu.memory_space<vmem>> -> memref<1x8x4096xf32, #tpu.memory_space<vmem>>
    %dma_wait3A_186 = tpu.memref_squeeze %dma_wait3A_185 : memref<1x8x4096xf32, #tpu.memory_space<vmem>> -> memref<8x4096xf32, #tpu.memory_space<vmem>>
    %dma_wait3A_187 = arith.constant 0 : i32
    %dma_wait3A_188 = tpu.memref_slice %arg5[%dma_wait3A_187] : memref<4096xi32, #tpu.memory_space<vmem>> -> memref<8xi32, #tpu.memory_space<vmem>>
    %dma_wait3A_189 = arith.constant 0 : i32
    %dma_wait3A_190 = arith.constant 0 : i32
    %dma_wait3A_191 = tpu.memref_slice %arg2[%dma_wait3A_189, %dma_wait3A_190] : memref<32000x4096xf32, #tpu.memory_space<hbm>> -> memref<32000x4096xf32, #tpu.memory_space<hbm>>
    tpu.wait_indirect_dma semaphore(%arg8 : memref<!tpu.dma_semaphore, #tpu.memory_space<semaphore_mem>>) src(%dma_wait3A_191 : memref<32000x4096xf32, #tpu.memory_space<hbm>>) dst(%dma_wait3A_186 : memref<8x4096xf32, #tpu.memory_space<vmem>>)
    %add3A_192 = arith.constant 4088 : i32
    %add3A_193 = arith.addi %mul3A_2, %add3A_192 : i32
    %dma_start3A_194 = arith.constant 1 : i32
    %dma_start3A_195 = arith.constant 0 : i32
    %dma_start3A_196 = arith.constant 0 : i32
    %dma_start3A_197 = tpu.memref_slice %arg6[%dma_start3A_194, %dma_start3A_195, %dma_start3A_196] : memref<3x8x4096xf32, #tpu.memory_space<vmem>> -> memref<1x8x4096xf32, #tpu.memory_space<vmem>>
    %dma_start3A_198 = tpu.memref_squeeze %dma_start3A_197 : memref<1x8x4096xf32, #tpu.memory_space<vmem>> -> memref<8x4096xf32, #tpu.memory_space<vmem>>
    %dma_start3A_199 = arith.constant 0 : i32
    %dma_start3A_200 = tpu.memref_slice %arg4[%add3A_193, %dma_start3A_199] : memref<131072x4096xf32, #tpu.memory_space<hbm>> -> memref<8x4096xf32, #tpu.memory_space<hbm>>
    %dma_start3A_201 = arith.constant 0 : i32
    %dma_start3A_202 = tpu.memref_slice %arg4[%add3A_193, %dma_start3A_201] : memref<131072x4096xf32, #tpu.memory_space<hbm>> -> memref<8x4096xf32, #tpu.memory_space<hbm>>
    %dma_start3A_203 = arith.constant 0 : i32
    %dma_start3A_204 = arith.constant 0 : i32
    %dma_start3A_205 = tpu.memref_slice %arg6[%dma_start3A_194, %dma_start3A_203, %dma_start3A_204] : memref<3x8x4096xf32, #tpu.memory_space<vmem>> -> memref<1x8x4096xf32, #tpu.memory_space<vmem>>
    %dma_start3A_206 = tpu.memref_squeeze %dma_start3A_205 : memref<1x8x4096xf32, #tpu.memory_space<vmem>> -> memref<8x4096xf32, #tpu.memory_space<vmem>>
    tpu.enqueue_dma source(%dma_start3A_206 : memref<8x4096xf32, #tpu.memory_space<vmem>>) target(%dma_start3A_202 : memref<8x4096xf32, #tpu.memory_space<hbm>>) target_semaphore(%arg11 : memref<!tpu.dma_semaphore, #tpu.memory_space<semaphore_mem>>)
    %dma_wait3A_207 = arith.constant 0 : i32
    %dma_wait3A_208 = arith.constant 0 : i32
    %dma_wait3A_209 = arith.constant 0 : i32
    %dma_wait3A_210 = tpu.memref_slice %arg6[%dma_wait3A_207, %dma_wait3A_208, %dma_wait3A_209] : memref<3x8x4096xf32, #tpu.memory_space<vmem>> -> memref<1x8x4096xf32, #tpu.memory_space<vmem>>
    %dma_wait3A_211 = tpu.memref_squeeze %dma_wait3A_210 : memref<1x8x4096xf32, #tpu.memory_space<vmem>> -> memref<8x4096xf32, #tpu.memory_space<vmem>>
    %dma_wait3A_212 = arith.constant 0 : i32
    %dma_wait3A_213 = tpu.memref_slice %arg4[%mul3A_2, %dma_wait3A_212] : memref<131072x4096xf32, #tpu.memory_space<hbm>> -> memref<8x4096xf32, #tpu.memory_space<hbm>>
    %dma_wait3A_214 = arith.constant 0 : i32
    %dma_wait3A_215 = tpu.memref_slice %arg4[%mul3A_2, %dma_wait3A_214] : memref<131072x4096xf32, #tpu.memory_space<hbm>> -> memref<8x4096xf32, #tpu.memory_space<hbm>>
    %dma_wait3A_216 = arith.constant 0 : i32
    %dma_wait3A_217 = arith.constant 0 : i32
    %dma_wait3A_218 = tpu.memref_slice %arg6[%dma_wait3A_207, %dma_wait3A_216, %dma_wait3A_217] : memref<3x8x4096xf32, #tpu.memory_space<vmem>> -> memref<1x8x4096xf32, #tpu.memory_space<vmem>>
    %dma_wait3A_219 = tpu.memref_squeeze %dma_wait3A_218 : memref<1x8x4096xf32, #tpu.memory_space<vmem>> -> memref<8x4096xf32, #tpu.memory_space<vmem>>
    tpu.wait_dma2 semaphore(%arg10 : memref<!tpu.dma_semaphore, #tpu.memory_space<semaphore_mem>>) src(%dma_wait3A_219 : memref<8x4096xf32, #tpu.memory_space<vmem>>) dst(%dma_wait3A_215 : memref<8x4096xf32, #tpu.memory_space<hbm>>)
    %dma_wait3A_220 = arith.constant 1 : i32
    %dma_wait3A_221 = arith.constant 0 : i32
    %dma_wait3A_222 = arith.constant 0 : i32
    %dma_wait3A_223 = tpu.memref_slice %arg6[%dma_wait3A_220, %dma_wait3A_221, %dma_wait3A_222] : memref<3x8x4096xf32, #tpu.memory_space<vmem>> -> memref<1x8x4096xf32, #tpu.memory_space<vmem>>
    %dma_wait3A_224 = tpu.memref_squeeze %dma_wait3A_223 : memref<1x8x4096xf32, #tpu.memory_space<vmem>> -> memref<8x4096xf32, #tpu.memory_space<vmem>>
    %dma_wait3A_225 = arith.constant 0 : i32
    %dma_wait3A_226 = tpu.memref_slice %arg4[%mul3A_2, %dma_wait3A_225] : memref<131072x4096xf32, #tpu.memory_space<hbm>> -> memref<8x4096xf32, #tpu.memory_space<hbm>>
    %dma_wait3A_227 = arith.constant 0 : i32
    %dma_wait3A_228 = tpu.memref_slice %arg4[%mul3A_2, %dma_wait3A_227] : memref<131072x4096xf32, #tpu.memory_space<hbm>> -> memref<8x4096xf32, #tpu.memory_space<hbm>>
    %dma_wait3A_229 = arith.constant 0 : i32
    %dma_wait3A_230 = arith.constant 0 : i32
    %dma_wait3A_231 = tpu.memref_slice %arg6[%dma_wait3A_220, %dma_wait3A_229, %dma_wait3A_230] : memref<3x8x4096xf32, #tpu.memory_space<vmem>> -> memref<1x8x4096xf32, #tpu.memory_space<vmem>>
    %dma_wait3A_232 = tpu.memref_squeeze %dma_wait3A_231 : memref<1x8x4096xf32, #tpu.memory_space<vmem>> -> memref<8x4096xf32, #tpu.memory_space<vmem>>
    tpu.wait_dma2 semaphore(%arg11 : memref<!tpu.dma_semaphore, #tpu.memory_space<semaphore_mem>>) src(%dma_wait3A_232 : memref<8x4096xf32, #tpu.memory_space<vmem>>) dst(%dma_wait3A_228 : memref<8x4096xf32, #tpu.memory_space<hbm>>)
    %dma_wait3A_233 = arith.constant 2 : i32
    %dma_wait3A_234 = arith.constant 0 : i32
    %dma_wait3A_235 = arith.constant 0 : i32
    %dma_wait3A_236 = tpu.memref_slice %arg6[%dma_wait3A_233, %dma_wait3A_234, %dma_wait3A_235] : memref<3x8x4096xf32, #tpu.memory_space<vmem>> -> memref<1x8x4096xf32, #tpu.memory_space<vmem>>
    %dma_wait3A_237 = tpu.memref_squeeze %dma_wait3A_236 : memref<1x8x4096xf32, #tpu.memory_space<vmem>> -> memref<8x4096xf32, #tpu.memory_space<vmem>>
    %dma_wait3A_238 = arith.constant 0 : i32
    %dma_wait3A_239 = tpu.memref_slice %arg4[%mul3A_2, %dma_wait3A_238] : memref<131072x4096xf32, #tpu.memory_space<hbm>> -> memref<8x4096xf32, #tpu.memory_space<hbm>>
    %dma_wait3A_240 = arith.constant 0 : i32
    %dma_wait3A_241 = tpu.memref_slice %arg4[%mul3A_2, %dma_wait3A_240] : memref<131072x4096xf32, #tpu.memory_space<hbm>> -> memref<8x4096xf32, #tpu.memory_space<hbm>>
    %dma_wait3A_242 = arith.constant 0 : i32
    %dma_wait3A_243 = arith.constant 0 : i32
    %dma_wait3A_244 = tpu.memref_slice %arg6[%dma_wait3A_233, %dma_wait3A_242, %dma_wait3A_243] : memref<3x8x4096xf32, #tpu.memory_space<vmem>> -> memref<1x8x4096xf32, #tpu.memory_space<vmem>>
    %dma_wait3A_245 = tpu.memref_squeeze %dma_wait3A_244 : memref<1x8x4096xf32, #tpu.memory_space<vmem>> -> memref<8x4096xf32, #tpu.memory_space<vmem>>
    tpu.wait_dma2 semaphore(%arg12 : memref<!tpu.dma_semaphore, #tpu.memory_space<semaphore_mem>>) src(%dma_wait3A_245 : memref<8x4096xf32, #tpu.memory_space<vmem>>) dst(%dma_wait3A_241 : memref<8x4096xf32, #tpu.memory_space<hbm>>)
    return
  }
}

</mosaic_0001>

<sc_bundles>
// kernel: kernel.4.cloned.1.call-start
scs
__scs_entry_jumppad:
0x0: {  	(pc) =	sbr.rel $0x88, $3  }
0x1: {  	(tag) =	ssettag $0x0;
	lr =	simm.s32 $0x1  }
0x2: {  	[smem:$0x3F9D] =	sst lr;
	_ =	strace $0xD0000000  }
0x3: {  	_ = 	snop  }
0x4: {  	_ = 	snop  }
0x5: {  	_ = 	snop  }
0x6: {  	_ = 	snop  }
0x7: {  	_ = 	snop  }
__scs_overlays_trampoline_lowered:
0x8: {  	[smem:$0x3FAC] =	sst s0  }
0x9: {  	[smem:$0x3FAD] =	sst s1  }
0xa: {  	[smem:$0x3FAE] =	sst s2  }
0xb: {  	[smem:$0x3FAF] =	sst s3  }
0xc: {  	[smem:$0x3FB0] =	sst s4  }
0xd: {  	[smem:$0x3FB1] =	sst s5  }
0xe: {  	[smem:$0x3FB2] =	sst s6  }
0xf: {  	[smem:$0x3FB3] =	sst s7  }
0x10: {  	[smem:$0x3FB4] =	sst s8  }
0x11: {  	[smem:$0x3FB5] =	sst s9;
	s0 =	simm.s32 @!p0 $0x0  }
0x12: {  	s1 =	sld [smem:$0x3F9B];
	s0 =	simm.s32 @p0 $0x1  }
0x13: {  	[smem:$0x3FB6] =	sst s0;
	s0 =	simm.s32 @!p1 $0x0  }
0x14: {  	s2 =	sld [smem:$0x3F9A];
	s0 =	simm.s32 @p1 $0x1  }
0x15: {  	[smem:$0x3FB7] =	sst s0;
	s0 =	simm.s32 @!p2 $0x0  }
0x16: {  	s3 =	sld [smem:$0x3FDB];
	s0 =	simm.s32 @p2 $0x1  }
0x17: {  	s4 =	simm.s32 $0x1BF5;
	[smem:$0x3FB9] =	sst s0  }
0x18: {  	s0 =	sld [smem:$0x3F9C];
	_ =	swait.ge [sflag:s4], $0x0  }
0x19: {  	s7 =	sld [smem:$0x3F9D]  }
0x1a: {  	s8 =	sadd.s32 $0xFFFFE003, lr  }
0x1b: {  	s9 =	sadd.s32 $0xFFFFFEF7, lr;
	s5 =	simm.s32 $0xFFFFFFFF;
	p2 =	slt.u32 s8, $0xFFFFF086  }
0x1c: {  	p1 =	slt.u32 s9, $0xF7A;
	s5 =	simm.s32 @!p2 $0x0  }
0x1d: {  	s5 =	simm.s32 @p1 $0x1;
	p0 =	seq.s32 s7, s2  }
0x1e: {  	s7 =	smul.u32 @!p0 $0xF7A, s2;
	p2 =	seq.s32 @!p0 s5, $0x0  }
0x1f: {  	s9 =	smul.u32 $0xF7A, s1;
	s8 =	simm.s32 @!p0 $0x1BF5;
	p2 =	por !p2, p0  }
0x20: {  	[sflag:s8] =	ssyncset.s32 @!p0 $0xFFFFF086;
	s6 =	sadd.s32 @!p0 s3, s7;
	s7 =	simm.s32 @!p0 $0x108  }
0x21: {  	s3 =	sadd.s32 s3, s9;
	s6 =	sadd.s32 @!p0 $0x88, s6;
	s7 =	simm.s32 @p2 $0x1082  }
0x22: {  	[simem:s7], [sflag:s8] =	dma.local @!p0 [hbm:s6], $0xF7A  }
0x23: {  	s9 =	sor.u32 $0xD0000000, s2;
	s6 =	simm.s32 $0x108;
	_ =	swait.ge @!p0 [sflag:s8], $0x0  }
0x24: {  	s3 =	sadd.s32 $0x88, s3;
	s6 =	simm.s32 @!p1 $0x1082;
	[sflag:s4] =	ssyncset.s32 $0xFFFFF086  }
0x25: {  	[simem:s6], [sflag:s4] =	dma.local [hbm:s3], $0xF7A  }
0x26: {  	[smem:$0x3F9D] =	sst s1;
	(tag) =	ssettag s2;
	_ =	strace s9  }
0x27: {  	s1 =	sld [smem:$0x3FAD]  }
0x28: {  	s2 =	sld [smem:$0x3FAE]  }
0x29: {  	s4 =	sld [smem:$0x3FB0]  }
0x2a: {  	p0 =	seq.s32 s5, $0x0;
	s5 =	sld [smem:$0x3FB1]  }
0x2b: {  	s6 =	sld [smem:$0x3FB2]  }
0x2c: {  	s7 =	sld [smem:$0x3FB3]  }
0x2d: {  	s3 =	simm.s32 $0x108;
	s8 =	sld [smem:$0x3FB4]  }
0x2e: {  	s3 =	simm.s32 @!p0 $0x1082;
	s9 =	sld [smem:$0x3FB5]  }
0x2f: {  	lr =	sadd.s32 s0, s3;
	s0 =	sld [smem:$0x3FAC]  }
0x30: {  	s3 =	sld [smem:$0x3FAF]  }
0x31: {  	[smem:$0x3FB8] =	sst s10  }
0x32: {  	s10 =	sld [smem:$0x3FB6];
	_ =	sdelay $0x3  }
0x33: {  	p0 =	seq.s32 s10, $0x1;
	s10 =	sld [smem:$0x3FB8];
	_ =	sdelay $0x3  }
0x34: {  	[smem:$0x3FB8] =	sst s10  }
0x35: {  	s10 =	sld [smem:$0x3FB7];
	_ =	sdelay $0x3  }
0x36: {  	p1 =	seq.s32 s10, $0x1;
	s10 =	sld [smem:$0x3FB8];
	_ =	sdelay $0x3  }
0x37: {  	[smem:$0x3FB8] =	sst s10  }
0x38: {  	s10 =	sld [smem:$0x3FB9]  }
0x39: {  	_ = 	snop;
	(pc) =	sbr.ind lr, $3  }
0x3a: {  	_ = 	snop  }
0x3b: {  	_ = 	snop  }
0x3c: {  	p2 =	seq.s32 s10, $0x1;
	s10 =	sld [smem:$0x3FB8]  }
0x3d: {  	_ =	shalt  }
0x3e: {  	_ =	shalt  }
0x3f: {  	_ =	shalt  }
0x40: {  	_ =	shalt  }
0x41: {  	_ =	shalt  }
0x42: {  	_ =	shalt  }
0x43: {  	_ =	shalt  }
0x44: {  	_ =	shalt  }
0x45: {  	_ =	shalt  }
0x46: {  	_ =	shalt  }
0x47: {  	_ =	shalt  }
0x48: {  	_ =	shalt  }
0x49: {  	_ =	shalt  }
0x4a: {  	_ =	shalt  }
0x4b: {  	_ =	shalt  }
0x4c: {  	_ =	shalt  }
0x4d: {  	_ =	shalt  }
0x4e: {  	_ =	shalt  }
0x4f: {  	_ =	shalt  }
0x50: {  	_ =	shalt  }
0x51: {  	_ =	shalt  }
0x52: {  	_ =	shalt  }
0x53: {  	_ =	shalt  }
0x54: {  	_ =	shalt  }
0x55: {  	_ =	shalt  }
0x56: {  	_ =	shalt  }
0x57: {  	_ =	shalt  }
0x58: {  	_ =	shalt  }
0x59: {  	_ =	shalt  }
0x5a: {  	_ =	shalt  }
0x5b: {  	_ =	shalt  }
0x5c: {  	_ =	shalt  }
0x5d: {  	_ =	shalt  }
0x5e: {  	_ =	shalt  }
0x5f: {  	_ =	shalt  }
0x60: {  	_ =	shalt  }
0x61: {  	_ =	shalt  }
0x62: {  	_ =	shalt  }
0x63: {  	_ =	shalt  }
0x64: {  	_ =	shalt  }
0x65: {  	_ =	shalt  }
0x66: {  	_ =	shalt  }
0x67: {  	_ =	shalt  }
0x68: {  	_ =	shalt  }
0x69: {  	_ =	shalt  }
0x6a: {  	_ =	shalt  }
0x6b: {  	_ =	shalt  }
0x6c: {  	_ =	shalt  }
0x6d: {  	_ =	shalt  }
0x6e: {  	_ =	shalt  }
0x6f: {  	_ =	shalt  }
0x70: {  	_ =	shalt  }
0x71: {  	_ =	shalt  }
0x72: {  	_ =	shalt  }
0x73: {  	_ =	shalt  }
0x74: {  	_ =	shalt  }
0x75: {  	_ =	shalt  }
0x76: {  	_ =	shalt  }
0x77: {  	_ =	shalt  }
0x78: {  	_ =	shalt  }
0x79: {  	_ =	shalt  }
0x7a: {  	_ =	shalt  }
0x7b: {  	_ =	shalt  }
0x7c: {  	_ =	shalt  }
0x7d: {  	_ =	shalt  }
0x7e: {  	_ =	shalt  }
0x7f: {  	_ =	shalt  }
0x80: {  	_ =	shalt  }
0x81: {  	_ =	shalt  }
0x82: {  	_ =	shalt  }
0x83: {  	_ =	shalt  }
0x84: {  	_ =	shalt  }
0x85: {  	_ =	shalt  }
0x86: {  	_ =	shalt  }
0x87: {  	_ =	shalt  }
.Lfunc_end0:
.L_simem_size_0:
called_computation_lowered:
.L_overlay_start_0:
0x88: {  	s2 =	sld [smem:$0x3FD9]  }
0x89: {  	s3 =	sld [smem:$0x3FFE];
	_ =	sdelay $0x1  }
0x8a: {  	s1 =	srdreg.scid  }
0x8b: {  	s0 =	sand.u32 $0x1, s1  }
0x8c: {  	s14 =	sshll.u32 s0, $0xA;
	s2 =	sadd.s32 s3, s2  }
0x8d: {  	s2 =	sadd.s32 s2, s14  }
0x8e: {  	[smem:$0x3FC4] =	sst s2  }
0x8f: {  	_ = 	snop  }
0x90: {  	s2 =	sld [smem:$0x3FD0];
	_ =	sdelay $0x2  }
0x91: {  	s4 =	simm.s32 $0xB;
	s5 =	simm.s32 $0x10;
	s15 =	sld [smem:$0x3FC7]  }
0x92: {  	[smem:s5], [sflag:s4] =	dma.local [hbm:s2], $0x1  }
0x93: {  	_ =	swait.eq [sflag:s4], $0x1  }
0x94: {  	[sflag:s4] =	ssyncset.done $0x0  }
0x95: {  	[sflag:s4] =	ssyncadd.s32 $0xFFFFFFFF  }
0x96: {  	s16 =	sld [smem:$0x10];
	(tm) =	ssettm $0x1  }
0x97: {  	s17 =	sld [smem:$0x3FFB];
	_ =	sdelay $0x3  }
0x98: {  	_ =	strace s17  }
0x99: {  	s4 =	sld [smem:$0x3FFC];
	_ =	sdelay $0x3  }
0x9a: {  	_ =	strace s4  }
0x9b: {  	s4 =	sld [smem:$0x3FFD];
	_ =	sdelay $0x3  }
0x9c: {  	_ =	strace s4  }
0x9d: {  	_ =	strace $0x8FFFFFFF  }
0x9e: {  	s18 =	sld [smem:$0x3FDB];
	_ =	sdelay $0x1  }
0x9f: {  	s19 =	simm.s32 $_scs_section_size  }
0xa0: {  	s6 =	simm.s32 $_size__tile_overlayer_lowered;
	s7 =	simm.s32 $_tile_overlayer_lowered  }
0xa1: {  	s22 =	simm.s32 $0x1BFF;
	s21 =	sshll.u32 s7, $0x1;
	s4 =	sadd.s32 s19, s18  }
0xa2: {  	s8 =	simm.s32 $0x0;
	s20 =	sshll.u32 s6, $0x1;
	s6 =	sadd.s32 s21, s4  }
0xa3: {  	[timem:s8], [sflag:s22] =	dma.local [hbm:s6], s20  }
0xa4: {  	_ =	swait.ge [sflag:s22], s20  }
0xa5: {  	s5 =	ssub.s32 $0x0, s20;
	[sflag:s22] =	ssyncset.done $0x0  }
0xa6: {  	[sflag:s22] =	ssyncadd.s32 s5;
	_ =	sdelay $0x1  }
0xa7: {  	s23 =	simm.s32 $0x1B8B  }
0xa8: {  	_ =	swait.ge [sflag:s23], $0x1  }
0xa9: {  	[sflag:s23] =	ssyncset.done $0x0  }
0xaa: {  	s25 =	simm.s32 $0x1B8E;
	s24 =	sld [smem:$0x3FFE];
	[sflag:s23] =	ssyncadd.s32 $0xFFFFFFFF  }
0xab: {  	s26 =	simm.s32 $execute0_lowered;
	[smem:$0x3FD2] =	sst s25  }
0xac: {  	s6 =	sshll.u32 s26, $0x1;
	_ =	strace $0x80000046;
	[dreg:$0x1] =	wrdreg $0xFFFFFFFF  }
0xad: {  	s28 =	simm.s32 $_size_execute0_lowered;
	s4 =	sadd.s32 s4, s6;
	[dreg:$0x0] =	wrdreg $0x0  }
0xae: {  	s6 =	sshll.u32 s28, $0x1;
	[dreg:$0x2] =	wrdreg s4  }
0xaf: {  	[dreg:$0x3] =	wrdreg s6  }
0xb0: {  	[dreg:$0x4] =	wrdreg $0xC0  }
0xb1: {  	_ =	task [dreg:s8], $0x5FFFF  }
0xb2: {  	[dreg:$0x1] =	wrdreg $0xFFFFFFFF  }
0xb3: {  	[dreg:$0x0] =	wrdreg $0x60  }
0xb4: {  	[dreg:$0x2] =	wrdreg s15  }
0xb5: {  	[dreg:$0x3] =	wrdreg s24  }
0xb6: {  	[dreg:$0x4] =	wrdreg s16  }
0xb7: {  	[dreg:$0x5] =	wrdreg $0x9  }
0xb8: {  	_ =	task.clear_ibuf [dreg:s8], $0x6FFFF;
	_ =	strace $0x90000046  }
0xb9: {  	s29 =	simm.s32 $0x9;
	_ =	strace $0x80000048  }
0xba: {  	_ =	swait.ge [sflag:s29], $0x1  }
0xbb: {  	[sflag:s29] =	ssyncadd.s32 $0xFFFFFFFF  }
0xbc: {  	_ =	strace $0x90000048  }
0xbd: {  	_ =	sfence  }
0xbe: {  	s30 =	sld [smem:$0x0];
	_ =	sdelay $0x2  }
0xbf: {  	s31 =	sshll.u32 s1, $0xD;
	s1 =	sshrl.u32 s1, $0x2  }
0xc0: {  	s3 =	sand.u32 $0x4000, s31;
	s1 =	sadd.s32 s1, s30  }
0xc1: {  	s0 =	sor.u32 s3, s0;
	s1 =	sshll.u32 s1, $0x11  }
0xc2: {  	s0 =	sor.u32 s1, s0  }
0xc3: {  	s0 =	sadd.s32 $0x8F2B, s0  }
0xc4: {  	[sflag:s0] =	ssyncadd.remote.s32 $0x1  }
0xc5: {  	_ =	sfence.sel $0xFFFF  }
0xc6: {  	[dreg:$0x0] =	wrdreg $0xFFFFFFFF;
	(pc) =	sbr.abs _section_cstart, $3  }
0xc7: {  	[dreg:$0x1] =	wrdreg $0xFFFFFFFF  }
0xc8: {  	_ =	task.clear_ibuf [dreg:s8], $0x2FFFF;
	_ =	strace $0x9FFFFFFF  }
0xc9: {  	(tm) =	ssettm $0x7FFFFFFF  }
tec
execute0_lowered:
.L_overlay_start_1:
0x0: {  	(tag) =	ssettag $0x1  }
0x1: {  	s2 =	rddreg [dreg:$0x0]  }
0x2: {  	s0 =	rddreg [dreg:$0x1];
	s1 =	srdreg.scid  }
0x3: {  	s4 =	rddreg [dreg:$0x2];
	s13 =	stileid.u32;
	s3 =	simm.s32 $0x0  }
0x4: {  	s29 =	simm.s32 $0x9000;
	s20 =	simm.s32 $0xA800;
	s21 =	simm.s32 $0xB800  }
0x5: {  	s19 =	simm.s32 $0xE000;
	s31 =	simm.s32 $0xF800;
	s18 =	simm.s32 $0x11000  }
0x6: {  	s28 =	simm.s32 $0x3;
	s15 =	simm.s32 $0x4;
	s16 =	simm.s32 $0x5  }
0x7: {  	s30 =	simm.s32 $0x6;
	s17 =	simm.s32 $0x0;
	s1 =	sand.u32 $0x1, s1  }
0x8: {  	s5 =	sshll.u32 s13, $0xD;
	[smem:$0x7FF] =	sst s3;
	s8 =	sadd.s32 $0x400, s2  }
0x9: {  	s10 =	sadd.s32 $0x600, s2;
	s11 =	sadd.s32 $0x700, s2;
	s26 =	sshll.u32 s13, $0x15  }
0xa: {  	s13 =	simm.s32 $0x9800;
	s6 =	sshll.u32 s1, $0xC;
	s22 =	ssub.s32 $0x2, s1  }
0xb: {  	_ =	strace $0x80000047;
	s1 =	sshll.u32 s1, $0x14;
	s9 =	sor.u32 s6, s5  }
0xc: {  	[dreg:$0xb] =	wrdreg s17;
	s7 =	sshrl.u32 s22, $0x1;
	s6 =	sshrl.u32 s9, $0x3  }
0xd: {  	s5 =	sadd.s32 $0x100, s2;
	s12 =	ssub.s32 s22, s7;
	s0 =	sadd.s32 s6, s0  }
0xe: {  	s7 =	sadd.s32 $0x300, s2;
	s23 =	sshll.u32 s9, $0x8;
	s0 =	sadd.s32 $0xA00, s0  }
0xf: {  	s12 =	smax.u32 s12, $0x1;
	[dreg:$0x4] =	wrdreg s0;
	s0 =	sadd.s32 s23, s4  }
0x10: {  	s9 =	sadd.s32 $0x500, s2;
	[dreg:$0x9] =	wrdreg s12;
	s14 =	sadd.s32 $0xFC000, s0  }
0x11: {  	s22 =	simm.s32 $0xC800;
	s24 =	sadd.s32 $0xFD000, s0;
	[dreg:$0x5] =	wrdreg s14  }
0x12: {  	s6 =	sadd.s32 $0x200, s2;
	s25 =	sadd.s32 $0xFE000, s0;
	[dreg:$0x6] =	wrdreg s24  }
0x13: {  	s12 =	simm.s32 $0xC000;
	s0 =	sadd.s32 $0xFF000, s0;
	[dreg:$0x7] =	wrdreg s25  }
0x14: {  	s23 =	simm.s32 $0xD000;
	[dreg:$0x8] =	wrdreg s0;
	s0 =	sadd.s32 s26, s4  }
0x15: {  	v2 =	vlaneseq.u32;
	s4 =	simm.s32 $0xB000;
	s24 =	simm.s32 $0xD800;
	s25 =	simm.s32 $0xF000  }
0x16: {  	vm0 =	vmmov $0xffff;
	v1 =	vshrl.u32 v2, $0x3;
	s26 =	simm.s32 $0x1;
	s14 =	simm.s32 $0x2;
	s0 =	sadd.s32 s1, s0  }
0x17: {  	v0 =	vand.u32 $0x7, v2;
	v2 =	vor.u32 $0x8, v2;
	v1 =	vmul.u32 $0x8, v1;
	s1 =	simm.s32 $0xA000;
	[dreg:$0xa] =	wrdreg s0;
	s0 =	simm.s32 $0x1000  }
.LBB2_1:
0x18: {  	s17 =	rddreg [dreg:$0x4]  }
0x19: {  	[tilespmem:s3], [sflag:$0x7] =	stream.linear.gather [hbm4b:s17+s3], $0x1000, $0x38;
	[tilespmem:$0x19000] =	vst v63  }
0x1a: {  	s17 =	simm.s32 $0x7  }
0x1b: {  	_ =	swait.ge [sflag:s17], $0x1000  }
0x1c: {  	[sflag:s17] =	ssyncset.done $0x0  }
0x1d: {  	[sflag:s17] =	ssyncadd.s32 $0xFFFFF000  }
0x1e: {  	v3 =	vld [tilespmem:$0x0];
	_ =	sdelay $0x4  }
0x1f: {  	v4 =	vshll.u32 v3, $0x4  }
0x20: {  	v3 =	vand.u32 $0x7, v3;
	v4 =	vand.u32 $0xFFFFFF80, v4  }
0x21: {  	v3 =	vor.u32 v3, v4  }
0x22: {  	v4 =	vperm.xlane v3, v0;
	_ =	sdelay $0x1  }
0x23: {  	v4 =	vadd.s32 v1, v4;
	_ =	sdelay $0x4  }
0x24: {  	[tilespmem:s0], [sflag:$0x1] =	stream.indirect_vreg.gather [hbm4b:s2+s3], $0x80, v4, vm0, $0xb8;
	[tilespmem:$0x19000] =	vst v63  }
0x25: {  	s0 =	simm.s32 $0x1800  }
0x26: {  	[tilespmem:s0], [sflag:$0x1] =	stream.indirect_vreg.gather [hbm4b:s5+s3], $0x80, v4, vm0, $0xb8;
	[tilespmem:$0x19000] =	vst v63  }
0x27: {  	s17 =	simm.s32 $0x2000  }
0x28: {  	[tilespmem:s17], [sflag:$0x1] =	stream.indirect_vreg.gather [hbm4b:s6+s3], $0x80, v4, vm0, $0xb8;
	[tilespmem:$0x19000] =	vst v63  }
0x29: {  	s17 =	simm.s32 $0x2800  }
0x2a: {  	[tilespmem:s17], [sflag:$0x1] =	stream.indirect_vreg.gather [hbm4b:s7+s3], $0x80, v4, vm0, $0xb8;
	[tilespmem:$0x19000] =	vst v63  }
0x2b: {  	s17 =	simm.s32 $0x3000  }
0x2c: {  	[tilespmem:s17], [sflag:$0x1] =	stream.indirect_vreg.gather [hbm4b:s8+s3], $0x80, v4, vm0, $0xb8;
	[tilespmem:$0x19000] =	vst v63  }
0x2d: {  	v3 =	vperm.xlane v3, v2;
	s17 =	simm.s32 $0x3800  }
0x2e: {  	[tilespmem:s17], [sflag:$0x1] =	stream.indirect_vreg.gather [hbm4b:s9+s3], $0x80, v4, vm0, $0xb8;
	[tilespmem:$0x19000] =	vst v63  }
0x2f: {  	v3 =	vadd.s32 v1, v3;
	s17 =	simm.s32 $0x4000  }
0x30: {  	[tilespmem:s17], [sflag:$0x1] =	stream.indirect_vreg.gather [hbm4b:s10+s3], $0x80, v4, vm0, $0xb8;
	[tilespmem:$0x19000] =	vst v63  }
0x31: {  	s17 =	simm.s32 $0x4800  }
0x32: {  	[tilespmem:s17], [sflag:$0x1] =	stream.indirect_vreg.gather [hbm4b:s11+s3], $0x80, v4, vm0, $0xb8;
	[tilespmem:$0x19000] =	vst v63  }
0x33: {  	s17 =	simm.s32 $0x5000  }
0x34: {  	[tilespmem:s17], [sflag:$0x1] =	stream.indirect_vreg.gather [hbm4b:s2+s3], $0x80, v3, vm0, $0xb8;
	[tilespmem:$0x19000] =	vst v63  }
0x35: {  	s17 =	simm.s32 $0x5800  }
0x36: {  	[tilespmem:s17], [sflag:$0x1] =	stream.indirect_vreg.gather [hbm4b:s5+s3], $0x80, v3, vm0, $0xb8;
	[tilespmem:$0x19000] =	vst v63  }
0x37: {  	s17 =	simm.s32 $0x6000  }
0x38: {  	[tilespmem:s17], [sflag:$0x1] =	stream.indirect_vreg.gather [hbm4b:s6+s3], $0x80, v3, vm0, $0xb8;
	[tilespmem:$0x19000] =	vst v63  }
0x39: {  	s17 =	simm.s32 $0x6800  }
0x3a: {  	[tilespmem:s17], [sflag:$0x1] =	stream.indirect_vreg.gather [hbm4b:s7+s3], $0x80, v3, vm0, $0xb8;
	[tilespmem:$0x19000] =	vst v63  }
0x3b: {  	s17 =	simm.s32 $0x7000  }
0x3c: {  	[tilespmem:s17], [sflag:$0x1] =	stream.indirect_vreg.gather [hbm4b:s8+s3], $0x80, v3, vm0, $0xb8;
	[tilespmem:$0x19000] =	vst v63  }
0x3d: {  	s17 =	simm.s32 $0x7800  }
0x3e: {  	[tilespmem:s17], [sflag:$0x1] =	stream.indirect_vreg.gather [hbm4b:s9+s3], $0x80, v3, vm0, $0xb8;
	[tilespmem:$0x19000] =	vst v63  }
0x3f: {  	s17 =	simm.s32 $0x8000  }
0x40: {  	[tilespmem:s17], [sflag:$0x1] =	stream.indirect_vreg.gather [hbm4b:s10+s3], $0x80, v3, vm0, $0xb8;
	[tilespmem:$0x19000] =	vst v63  }
0x41: {  	s17 =	simm.s32 $0x8800  }
0x42: {  	[tilespmem:s17], [sflag:$0x1] =	stream.indirect_vreg.gather [hbm4b:s11+s3], $0x80, v3, vm0, $0xb8;
	[tilespmem:$0x19000] =	vst v63  }
0x43: {  	v3 =	vld [tilespmem:$0x10];
	_ =	sdelay $0x4  }
0x44: {  	v62 =	vshll.u32 v3, $0x4  }
0x45: {  	v3 =	vand.u32 $0x7, v3;
	v4 =	vand.u32 $0xFFFFFF80, v62  }
0x46: {  	v3 =	vor.u32 v3, v4  }
0x47: {  	v4 =	vperm.xlane v3, v0;
	_ =	sdelay $0x1  }
0x48: {  	v4 =	vadd.s32 v1, v4;
	_ =	sdelay $0x4  }
0x49: {  	[tilespmem:s29], [sflag:$0x2] =	stream.indirect_vreg.gather [hbm4b:s2+s3], $0x80, v4, vm0, $0xb8;
	[tilespmem:$0x19000] =	vst v63  }
0x4a: {  	_ = 	snop  }
0x4b: {  	[tilespmem:s13], [sflag:$0x2] =	stream.indirect_vreg.gather [hbm4b:s5+s3], $0x80, v4, vm0, $0xb8;
	[tilespmem:$0x19000] =	vst v63  }
0x4c: {  	_ = 	snop  }
0x4d: {  	[tilespmem:s1], [sflag:$0x2] =	stream.indirect_vreg.gather [hbm4b:s6+s3], $0x80, v4, vm0, $0xb8;
	[tilespmem:$0x19000] =	vst v63  }
0x4e: {  	_ = 	snop  }
0x4f: {  	[tilespmem:s20], [sflag:$0x2] =	stream.indirect_vreg.gather [hbm4b:s7+s3], $0x80, v4, vm0, $0xb8;
	[tilespmem:$0x19000] =	vst v63  }
0x50: {  	_ = 	snop  }
0x51: {  	[tilespmem:s4], [sflag:$0x2] =	stream.indirect_vreg.gather [hbm4b:s8+s3], $0x80, v4, vm0, $0xb8;
	[tilespmem:$0x19000] =	vst v63  }
0x52: {  	v3 =	vperm.xlane v3, v2  }
0x53: {  	[tilespmem:s21], [sflag:$0x2] =	stream.indirect_vreg.gather [hbm4b:s9+s3], $0x80, v4, vm0, $0xb8;
	[tilespmem:$0x19000] =	vst v63  }
0x54: {  	v3 =	vadd.s32 v1, v3  }
0x55: {  	[tilespmem:s12], [sflag:$0x2] =	stream.indirect_vreg.gather [hbm4b:s10+s3], $0x80, v4, vm0, $0xb8;
	[tilespmem:$0x19000] =	vst v63  }
0x56: {  	_ = 	snop  }
0x57: {  	[tilespmem:s22], [sflag:$0x2] =	stream.indirect_vreg.gather [hbm4b:s11+s3], $0x80, v4, vm0, $0xb8;
	[tilespmem:$0x19000] =	vst v63  }
0x58: {  	_ = 	snop  }
0x59: {  	[tilespmem:s23], [sflag:$0x2] =	stream.indirect_vreg.gather [hbm4b:s2+s3], $0x80, v3, vm0, $0xb8;
	[tilespmem:$0x19000] =	vst v63  }
0x5a: {  	_ = 	snop  }
0x5b: {  	[tilespmem:s24], [sflag:$0x2] =	stream.indirect_vreg.gather [hbm4b:s5+s3], $0x80, v3, vm0, $0xb8;
	[tilespmem:$0x19000] =	vst v63  }
0x5c: {  	_ = 	snop  }
0x5d: {  	[tilespmem:s19], [sflag:$0x2] =	stream.indirect_vreg.gather [hbm4b:s6+s3], $0x80, v3, vm0, $0xb8;
	[tilespmem:$0x19000] =	vst v63  }
0x5e: {  	s24 =	simm.s32 $0xE800  }
0x5f: {  	[tilespmem:s24], [sflag:$0x2] =	stream.indirect_vreg.gather [hbm4b:s7+s3], $0x80, v3, vm0, $0xb8;
	[tilespmem:$0x19000] =	vst v63  }
0x60: {  	_ = 	snop  }
0x61: {  	[tilespmem:s25], [sflag:$0x2] =	stream.indirect_vreg.gather [hbm4b:s8+s3], $0x80, v3, vm0, $0xb8;
	[tilespmem:$0x19000] =	vst v63  }
0x62: {  	_ = 	snop  }
0x63: {  	[tilespmem:s31], [sflag:$0x2] =	stream.indirect_vreg.gather [hbm4b:s9+s3], $0x80, v3, vm0, $0xb8;
	[tilespmem:$0x19000] =	vst v63  }
0x64: {  	s25 =	simm.s32 $0x10000  }
0x65: {  	[tilespmem:s25], [sflag:$0x2] =	stream.indirect_vreg.gather [hbm4b:s10+s3], $0x80, v3, vm0, $0xb8;
	[tilespmem:$0x19000] =	vst v63  }
0x66: {  	s29 =	simm.s32 $0x10800  }
0x67: {  	[tilespmem:s29], [sflag:$0x2] =	stream.indirect_vreg.gather [hbm4b:s11+s3], $0x80, v3, vm0, $0xb8;
	[tilespmem:$0x19000] =	vst v63  }
0x68: {  	v3 =	vld [tilespmem:$0x20];
	_ =	sdelay $0x4  }
0x69: {  	v63 =	vshll.u32 v3, $0x4  }
0x6a: {  	v3 =	vand.u32 $0x7, v3;
	v4 =	vand.u32 $0xFFFFFF80, v63  }
0x6b: {  	v3 =	vor.u32 v3, v4  }
0x6c: {  	v4 =	vperm.xlane v3, v0;
	_ =	sdelay $0x1  }
0x6d: {  	v4 =	vadd.s32 v1, v4;
	_ =	sdelay $0x4  }
0x6e: {  	[tilespmem:s18], [sflag:$0x3] =	stream.indirect_vreg.gather [hbm4b:s2+s3], $0x80, v4, vm0, $0xb8;
	[tilespmem:$0x19000] =	vst v63  }
0x6f: {  	s1 =	simm.s32 $0x11800  }
0x70: {  	[tilespmem:s1], [sflag:$0x3] =	stream.indirect_vreg.gather [hbm4b:s5+s3], $0x80, v4, vm0, $0xb8;
	[tilespmem:$0x19000] =	vst v63  }
0x71: {  	s4 =	simm.s32 $0x12000  }
0x72: {  	[tilespmem:s4], [sflag:$0x3] =	stream.indirect_vreg.gather [hbm4b:s6+s3], $0x80, v4, vm0, $0xb8;
	[tilespmem:$0x19000] =	vst v63  }
0x73: {  	s12 =	simm.s32 $0x12800  }
0x74: {  	[tilespmem:s12], [sflag:$0x3] =	stream.indirect_vreg.gather [hbm4b:s7+s3], $0x80, v4, vm0, $0xb8;
	[tilespmem:$0x19000] =	vst v63  }
0x75: {  	s13 =	simm.s32 $0x13000  }
0x76: {  	[tilespmem:s13], [sflag:$0x3] =	stream.indirect_vreg.gather [hbm4b:s8+s3], $0x80, v4, vm0, $0xb8;
	[tilespmem:$0x19000] =	vst v63  }
0x77: {  	s17 =	simm.s32 $0x13800;
	v3 =	vperm.xlane v3, v2  }
0x78: {  	[tilespmem:s17], [sflag:$0x3] =	stream.indirect_vreg.gather [hbm4b:s9+s3], $0x80, v4, vm0, $0xb8;
	[tilespmem:$0x19000] =	vst v63  }
0x79: {  	v3 =	vadd.s32 v1, v3;
	s18 =	simm.s32 $0x14000  }
0x7a: {  	[tilespmem:s18], [sflag:$0x3] =	stream.indirect_vreg.gather [hbm4b:s10+s3], $0x80, v4, vm0, $0xb8;
	[tilespmem:$0x19000] =	vst v63  }
0x7b: {  	s19 =	simm.s32 $0x14800  }
0x7c: {  	[tilespmem:s19], [sflag:$0x3] =	stream.indirect_vreg.gather [hbm4b:s11+s3], $0x80, v4, vm0, $0xb8;
	[tilespmem:$0x19000] =	vst v63  }
0x7d: {  	s20 =	simm.s32 $0x15000  }
0x7e: {  	[tilespmem:s20], [sflag:$0x3] =	stream.indirect_vreg.gather [hbm4b:s2+s3], $0x80, v3, vm0, $0xb8;
	[tilespmem:$0x19000] =	vst v63  }
0x7f: {  	s21 =	simm.s32 $0x15800  }
0x80: {  	[tilespmem:s21], [sflag:$0x3] =	stream.indirect_vreg.gather [hbm4b:s5+s3], $0x80, v3, vm0, $0xb8;
	[tilespmem:$0x19000] =	vst v63  }
0x81: {  	s22 =	simm.s32 $0x16000  }
0x82: {  	[tilespmem:s22], [sflag:$0x3] =	stream.indirect_vreg.gather [hbm4b:s6+s3], $0x80, v3, vm0, $0xb8;
	[tilespmem:$0x19000] =	vst v63  }
0x83: {  	s23 =	simm.s32 $0x16800;
	s24 =	simm.s32 $0x17000;
	s31 =	simm.s32 $0x0  }
0x84: {  	[tilespmem:s23], [sflag:$0x3] =	stream.indirect_vreg.gather [hbm4b:s7+s3], $0x80, v3, vm0, $0xb8;
	[tilespmem:$0x19000] =	vst v63  }
0x85: {  	s25 =	simm.s32 $0x17800;
	s29 =	simm.s32 $0x18000;
	s4 =	simm.s32 $0xF000  }
0x86: {  	[tilespmem:s24], [sflag:$0x3] =	stream.indirect_vreg.gather [hbm4b:s8+s3], $0x80, v3, vm0, $0xb8;
	[tilespmem:$0x19000] =	vst v63  }
0x87: {  	s12 =	simm.s32 $0x18800;
	s13 =	simm.s32 $0xE800;
	s17 =	rddreg [dreg:$0xa]  }
0x88: {  	[tilespmem:s25], [sflag:$0x3] =	stream.indirect_vreg.gather [hbm4b:s9+s3], $0x80, v3, vm0, $0xb8;
	[tilespmem:$0x19000] =	vst v63  }
0x89: {  	s19 =	simm.s32 $0xE000;
	s21 =	simm.s32 $0xA800;
	s22 =	simm.s32 $0xB800  }
0x8a: {  	[tilespmem:s29], [sflag:$0x3] =	stream.indirect_vreg.gather [hbm4b:s10+s3], $0x80, v3, vm0, $0xb8;
	[tilespmem:$0x19000] =	vst v63  }
0x8b: {  	s23 =	simm.s32 $0xC800;
	s24 =	simm.s32 $0xD000;
	s25 =	simm.s32 $0xD800  }
0x8c: {  	[tilespmem:s12], [sflag:$0x3] =	stream.indirect_vreg.gather [hbm4b:s11+s3], $0x80, v3, vm0, $0xb8;
	[tilespmem:$0x19000] =	vst v63  }
.LBB2_2:
0x8d: {  	_ =	swait.ge [sflag:s26], $0x8000  }
0x8e: {  	[sflag:s26] =	ssyncset.done $0x0  }
0x8f: {  	s0 =	simm.s32 $0x1000;
	[sflag:s26] =	ssyncadd.s32 $0xFFFF8000  }
0x90: {  	[hbm4b:s17+s3] =	stream.linear.scatter [tilespmem:s0], [sflag:$0x4], $0x8000, $0x38;
	[tilespmem:$0x19000] =	vst v63  }
0x91: {  	_ =	swait.ge [sflag:s14], $0x8000  }
0x92: {  	[sflag:s14] =	ssyncset.done $0x0  }
0x93: {  	s18 =	sadd.s32 $0x1000, s17;
	s1 =	simm.s32 $0x9000;
	[sflag:s14] =	ssyncadd.s32 $0xFFFF8000  }
0x94: {  	[hbm4b:s18+s3] =	stream.linear.scatter [tilespmem:s1], [sflag:$0x5], $0x8000, $0x38;
	[tilespmem:$0x19000] =	vst v63  }
0x95: {  	_ =	swait.ge [sflag:s28], $0x8000  }
0x96: {  	[sflag:s28] =	ssyncset.done $0x0  }
0x97: {  	s20 =	simm.s32 $0x11000;
	s18 =	sadd.s32 $0x2000, s17;
	[sflag:s28] =	ssyncadd.s32 $0xFFFF8000  }
0x98: {  	[hbm4b:s18+s3] =	stream.linear.scatter [tilespmem:s20], [sflag:$0x6], $0x8000, $0x38;
	[tilespmem:$0x19000] =	vst v63  }
0x99: {  	_ =	swait.ge [sflag:s15], $0x8000  }
0x9a: {  	[sflag:s15] =	ssyncset.done $0x0  }
0x9b: {  	s18 =	sshra.s32 s31, $0x2;
	[sflag:s15] =	ssyncadd.s32 $0xFFFF8000  }
0x9c: {  	v3 =	vld [tilespmem:s18+$0x30];
	_ =	sdelay $0x4  }
0x9d: {  	v4 =	vshll.u32 v3, $0x4  }
0x9e: {  	v3 =	vand.u32 $0x7, v3;
	v4 =	vand.u32 $0xFFFFFF80, v4  }
0x9f: {  	v3 =	vor.u32 v3, v4  }
0xa0: {  	v4 =	vperm.xlane v3, v0;
	_ =	sdelay $0x1  }
0xa1: {  	v4 =	vadd.s32 v1, v4;
	_ =	sdelay $0x4  }
0xa2: {  	[tilespmem:s0], [sflag:$0x1] =	stream.indirect_vreg.gather [hbm4b:s2+s3], $0x80, v4, vm0, $0xb8;
	[tilespmem:$0x19000] =	vst v63  }
0xa3: {  	s0 =	simm.s32 $0x1800  }
0xa4: {  	[tilespmem:s0], [sflag:$0x1] =	stream.indirect_vreg.gather [hbm4b:s5+s3], $0x80, v4, vm0, $0xb8;
	[tilespmem:$0x19000] =	vst v63  }
0xa5: {  	s0 =	simm.s32 $0x2000  }
0xa6: {  	[tilespmem:s0], [sflag:$0x1] =	stream.indirect_vreg.gather [hbm4b:s6+s3], $0x80, v4, vm0, $0xb8;
	[tilespmem:$0x19000] =	vst v63  }
0xa7: {  	s0 =	simm.s32 $0x2800  }
0xa8: {  	[tilespmem:s0], [sflag:$0x1] =	stream.indirect_vreg.gather [hbm4b:s7+s3], $0x80, v4, vm0, $0xb8;
	[tilespmem:$0x19000] =	vst v63  }
0xa9: {  	s0 =	simm.s32 $0x3000  }
0xaa: {  	[tilespmem:s0], [sflag:$0x1] =	stream.indirect_vreg.gather [hbm4b:s8+s3], $0x80, v4, vm0, $0xb8;
	[tilespmem:$0x19000] =	vst v63  }
0xab: {  	v3 =	vperm.xlane v3, v2;
	s0 =	simm.s32 $0x3800  }
0xac: {  	[tilespmem:s0], [sflag:$0x1] =	stream.indirect_vreg.gather [hbm4b:s9+s3], $0x80, v4, vm0, $0xb8;
	[tilespmem:$0x19000] =	vst v63  }
0xad: {  	v3 =	vadd.s32 v1, v3;
	s0 =	simm.s32 $0x4000  }
0xae: {  	[tilespmem:s0], [sflag:$0x1] =	stream.indirect_vreg.gather [hbm4b:s10+s3], $0x80, v4, vm0, $0xb8;
	[tilespmem:$0x19000] =	vst v63  }
0xaf: {  	s0 =	simm.s32 $0x4800  }
0xb0: {  	[tilespmem:s0], [sflag:$0x1] =	stream.indirect_vreg.gather [hbm4b:s11+s3], $0x80, v4, vm0, $0xb8;
	[tilespmem:$0x19000] =	vst v63  }
0xb1: {  	s0 =	simm.s32 $0x5000  }
0xb2: {  	[tilespmem:s0], [sflag:$0x1] =	stream.indirect_vreg.gather [hbm4b:s2+s3], $0x80, v3, vm0, $0xb8;
	[tilespmem:$0x19000] =	vst v63  }
0xb3: {  	s0 =	simm.s32 $0x5800  }
0xb4: {  	[tilespmem:s0], [sflag:$0x1] =	stream.indirect_vreg.gather [hbm4b:s5+s3], $0x80, v3, vm0, $0xb8;
	[tilespmem:$0x19000] =	vst v63  }
0xb5: {  	s0 =	simm.s32 $0x6000  }
0xb6: {  	[tilespmem:s0], [sflag:$0x1] =	stream.indirect_vreg.gather [hbm4b:s6+s3], $0x80, v3, vm0, $0xb8;
	[tilespmem:$0x19000] =	vst v63  }
0xb7: {  	s0 =	simm.s32 $0x6800  }
0xb8: {  	[tilespmem:s0], [sflag:$0x1] =	stream.indirect_vreg.gather [hbm4b:s7+s3], $0x80, v3, vm0, $0xb8;
	[tilespmem:$0x19000] =	vst v63  }
0xb9: {  	s0 =	simm.s32 $0x7000  }
0xba: {  	[tilespmem:s0], [sflag:$0x1] =	stream.indirect_vreg.gather [hbm4b:s8+s3], $0x80, v3, vm0, $0xb8;
	[tilespmem:$0x19000] =	vst v63  }
0xbb: {  	s0 =	simm.s32 $0x7800  }
0xbc: {  	[tilespmem:s0], [sflag:$0x1] =	stream.indirect_vreg.gather [hbm4b:s9+s3], $0x80, v3, vm0, $0xb8;
	[tilespmem:$0x19000] =	vst v63  }
0xbd: {  	s0 =	simm.s32 $0x8000  }
0xbe: {  	[tilespmem:s0], [sflag:$0x1] =	stream.indirect_vreg.gather [hbm4b:s10+s3], $0x80, v3, vm0, $0xb8;
	[tilespmem:$0x19000] =	vst v63  }
0xbf: {  	s0 =	simm.s32 $0x8800  }
0xc0: {  	[tilespmem:s0], [sflag:$0x1] =	stream.indirect_vreg.gather [hbm4b:s11+s3], $0x80, v3, vm0, $0xb8;
	[tilespmem:$0x19000] =	vst v63  }
0xc1: {  	_ =	swait.ge [sflag:s16], $0x8000  }
0xc2: {  	[sflag:s16] =	ssyncset.done $0x0  }
0xc3: {  	[sflag:s16] =	ssyncadd.s32 $0xFFFF8000  }
0xc4: {  	v3 =	vld [tilespmem:s18+$0x40];
	_ =	sdelay $0x4  }
0xc5: {  	v62 =	vshll.u32 v3, $0x4  }
0xc6: {  	v3 =	vand.u32 $0x7, v3;
	v4 =	vand.u32 $0xFFFFFF80, v62  }
0xc7: {  	v3 =	vor.u32 v3, v4  }
0xc8: {  	v4 =	vperm.xlane v3, v0;
	_ =	sdelay $0x1  }
0xc9: {  	v4 =	vadd.s32 v1, v4;
	_ =	sdelay $0x4  }
0xca: {  	[tilespmem:s1], [sflag:$0x2] =	stream.indirect_vreg.gather [hbm4b:s2+s3], $0x80, v4, vm0, $0xb8;
	[tilespmem:$0x19000] =	vst v63  }
0xcb: {  	s1 =	simm.s32 $0x9800  }
0xcc: {  	[tilespmem:s1], [sflag:$0x2] =	stream.indirect_vreg.gather [hbm4b:s5+s3], $0x80, v4, vm0, $0xb8;
	[tilespmem:$0x19000] =	vst v63  }
0xcd: {  	s1 =	simm.s32 $0xA000  }
0xce: {  	[tilespmem:s1], [sflag:$0x2] =	stream.indirect_vreg.gather [hbm4b:s6+s3], $0x80, v4, vm0, $0xb8;
	[tilespmem:$0x19000] =	vst v63  }
0xcf: {  	_ = 	snop  }
0xd0: {  	[tilespmem:s21], [sflag:$0x2] =	stream.indirect_vreg.gather [hbm4b:s7+s3], $0x80, v4, vm0, $0xb8;
	[tilespmem:$0x19000] =	vst v63  }
0xd1: {  	s1 =	simm.s32 $0xB000  }
0xd2: {  	[tilespmem:s1], [sflag:$0x2] =	stream.indirect_vreg.gather [hbm4b:s8+s3], $0x80, v4, vm0, $0xb8;
	[tilespmem:$0x19000] =	vst v63  }
0xd3: {  	v3 =	vperm.xlane v3, v2  }
0xd4: {  	[tilespmem:s22], [sflag:$0x2] =	stream.indirect_vreg.gather [hbm4b:s9+s3], $0x80, v4, vm0, $0xb8;
	[tilespmem:$0x19000] =	vst v63  }
0xd5: {  	v3 =	vadd.s32 v1, v3;
	s1 =	simm.s32 $0xC000  }
0xd6: {  	[tilespmem:s1], [sflag:$0x2] =	stream.indirect_vreg.gather [hbm4b:s10+s3], $0x80, v4, vm0, $0xb8;
	[tilespmem:$0x19000] =	vst v63  }
0xd7: {  	_ = 	snop  }
0xd8: {  	[tilespmem:s23], [sflag:$0x2] =	stream.indirect_vreg.gather [hbm4b:s11+s3], $0x80, v4, vm0, $0xb8;
	[tilespmem:$0x19000] =	vst v63  }
0xd9: {  	_ = 	snop  }
0xda: {  	[tilespmem:s24], [sflag:$0x2] =	stream.indirect_vreg.gather [hbm4b:s2+s3], $0x80, v3, vm0, $0xb8;
	[tilespmem:$0x19000] =	vst v63  }
0xdb: {  	_ = 	snop  }
0xdc: {  	[tilespmem:s25], [sflag:$0x2] =	stream.indirect_vreg.gather [hbm4b:s5+s3], $0x80, v3, vm0, $0xb8;
	[tilespmem:$0x19000] =	vst v63  }
0xdd: {  	_ = 	snop  }
0xde: {  	[tilespmem:s19], [sflag:$0x2] =	stream.indirect_vreg.gather [hbm4b:s6+s3], $0x80, v3, vm0, $0xb8;
	[tilespmem:$0x19000] =	vst v63  }
0xdf: {  	_ = 	snop  }
0xe0: {  	[tilespmem:s13], [sflag:$0x2] =	stream.indirect_vreg.gather [hbm4b:s7+s3], $0x80, v3, vm0, $0xb8;
	[tilespmem:$0x19000] =	vst v63  }
0xe1: {  	_ = 	snop  }
0xe2: {  	[tilespmem:s4], [sflag:$0x2] =	stream.indirect_vreg.gather [hbm4b:s8+s3], $0x80, v3, vm0, $0xb8;
	[tilespmem:$0x19000] =	vst v63  }
0xe3: {  	s1 =	simm.s32 $0xF800  }
0xe4: {  	[tilespmem:s1], [sflag:$0x2] =	stream.indirect_vreg.gather [hbm4b:s9+s3], $0x80, v3, vm0, $0xb8;
	[tilespmem:$0x19000] =	vst v63  }
0xe5: {  	s1 =	simm.s32 $0x10000  }
0xe6: {  	[tilespmem:s1], [sflag:$0x2] =	stream.indirect_vreg.gather [hbm4b:s10+s3], $0x80, v3, vm0, $0xb8;
	[tilespmem:$0x19000] =	vst v63  }
0xe7: {  	s1 =	simm.s32 $0x10800  }
0xe8: {  	[tilespmem:s1], [sflag:$0x2] =	stream.indirect_vreg.gather [hbm4b:s11+s3], $0x80, v3, vm0, $0xb8;
	[tilespmem:$0x19000] =	vst v63  }
0xe9: {  	_ =	swait.ge [sflag:s30], $0x8000  }
0xea: {  	[sflag:s30] =	ssyncset.done $0x0  }
0xeb: {  	[sflag:s30] =	ssyncadd.s32 $0xFFFF8000  }
0xec: {  	v3 =	vld [tilespmem:s18+$0x50];
	_ =	sdelay $0x4  }
0xed: {  	v63 =	vshll.u32 v3, $0x4  }
0xee: {  	v3 =	vand.u32 $0x7, v3;
	v4 =	vand.u32 $0xFFFFFF80, v63  }
0xef: {  	v3 =	vor.u32 v3, v4  }
0xf0: {  	v4 =	vperm.xlane v3, v0;
	_ =	sdelay $0x1  }
0xf1: {  	v4 =	vadd.s32 v1, v4;
	_ =	sdelay $0x4  }
0xf2: {  	[tilespmem:s20], [sflag:$0x3] =	stream.indirect_vreg.gather [hbm4b:s2+s3], $0x80, v4, vm0, $0xb8;
	[tilespmem:$0x19000] =	vst v63  }
0xf3: {  	s1 =	simm.s32 $0x11800  }
0xf4: {  	[tilespmem:s1], [sflag:$0x3] =	stream.indirect_vreg.gather [hbm4b:s5+s3], $0x80, v4, vm0, $0xb8;
	[tilespmem:$0x19000] =	vst v63  }
0xf5: {  	s20 =	simm.s32 $0x12000  }
0xf6: {  	[tilespmem:s20], [sflag:$0x3] =	stream.indirect_vreg.gather [hbm4b:s6+s3], $0x80, v4, vm0, $0xb8;
	[tilespmem:$0x19000] =	vst v63  }
0xf7: {  	s1 =	simm.s32 $0x12800  }
0xf8: {  	[tilespmem:s1], [sflag:$0x3] =	stream.indirect_vreg.gather [hbm4b:s7+s3], $0x80, v4, vm0, $0xb8;
	[tilespmem:$0x19000] =	vst v63  }
0xf9: {  	s20 =	simm.s32 $0x13000  }
0xfa: {  	[tilespmem:s20], [sflag:$0x3] =	stream.indirect_vreg.gather [hbm4b:s8+s3], $0x80, v4, vm0, $0xb8;
	[tilespmem:$0x19000] =	vst v63  }
0xfb: {  	v3 =	vperm.xlane v3, v2;
	s1 =	simm.s32 $0x13800  }
0xfc: {  	[tilespmem:s1], [sflag:$0x3] =	stream.indirect_vreg.gather [hbm4b:s9+s3], $0x80, v4, vm0, $0xb8;
	[tilespmem:$0x19000] =	vst v63  }
0xfd: {  	v3 =	vadd.s32 v1, v3;
	s20 =	simm.s32 $0x14000  }
0xfe: {  	[tilespmem:s20], [sflag:$0x3] =	stream.indirect_vreg.gather [hbm4b:s10+s3], $0x80, v4, vm0, $0xb8;
	[tilespmem:$0x19000] =	vst v63  }
0xff: {  	s1 =	simm.s32 $0x14800  }
0x100: {  	[tilespmem:s1], [sflag:$0x3] =	stream.indirect_vreg.gather [hbm4b:s11+s3], $0x80, v4, vm0, $0xb8;
	[tilespmem:$0x19000] =	vst v63  }
0x101: {  	s20 =	simm.s32 $0x15000  }
0x102: {  	[tilespmem:s20], [sflag:$0x3] =	stream.indirect_vreg.gather [hbm4b:s2+s3], $0x80, v3, vm0, $0xb8;
	[tilespmem:$0x19000] =	vst v63  }
0x103: {  	s1 =	simm.s32 $0x15800  }
0x104: {  	[tilespmem:s1], [sflag:$0x3] =	stream.indirect_vreg.gather [hbm4b:s5+s3], $0x80, v3, vm0, $0xb8;
	[tilespmem:$0x19000] =	vst v63  }
0x105: {  	s20 =	simm.s32 $0x16000  }
0x106: {  	[tilespmem:s20], [sflag:$0x3] =	stream.indirect_vreg.gather [hbm4b:s6+s3], $0x80, v3, vm0, $0xb8;
	[tilespmem:$0x19000] =	vst v63  }
0x107: {  	s1 =	simm.s32 $0x16800  }
0x108: {  	[tilespmem:s1], [sflag:$0x3] =	stream.indirect_vreg.gather [hbm4b:s7+s3], $0x80, v3, vm0, $0xb8;
	[tilespmem:$0x19000] =	vst v63  }
0x109: {  	s20 =	simm.s32 $0x17000  }
0x10a: {  	[tilespmem:s20], [sflag:$0x3] =	stream.indirect_vreg.gather [hbm4b:s8+s3], $0x80, v3, vm0, $0xb8;
	[tilespmem:$0x19000] =	vst v63  }
0x10b: {  	p0 =	sne.s32 s31, $0x3E40;
	s1 =	simm.s32 $0x17800  }
0x10c: {  	[tilespmem:s1], [sflag:$0x3] =	stream.indirect_vreg.gather [hbm4b:s9+s3], $0x80, v3, vm0, $0xb8;
	[tilespmem:$0x19000] =	vst v63  }
.Ltmp0:
0x10d: {  	_ = 	snop;
	(pc) =	sbr.rel @p0 .LBB2_2-.Ltmp0, $4  }
0x10e: {  	s29 =	simm.s32 $0x9000;
	s20 =	simm.s32 $0x18000  }
0x10f: {  	[tilespmem:s20], [sflag:$0x3] =	stream.indirect_vreg.gather [hbm4b:s10+s3], $0x80, v3, vm0, $0xb8;
	[tilespmem:$0x19000] =	vst v63  }
0x110: {  	s17 =	sadd.s32 $0x3000, s17;
	s31 =	sadd.s32 $0xC0, s31;
	s18 =	simm.s32 $0x11000  }
0x111: {  	[tilespmem:s12], [sflag:$0x3] =	stream.indirect_vreg.gather [hbm4b:s11+s3], $0x80, v3, vm0, $0xb8;
	[tilespmem:$0x19000] =	vst v63  }
0x112: {  	_ =	swait.ge [sflag:s26], $0x8000  }
0x113: {  	[sflag:s26] =	ssyncset.done $0x0  }
0x114: {  	s1 =	simm.s32 $0x1000;
	s17 =	rddreg [dreg:$0x5];
	[sflag:s26] =	ssyncadd.s32 $0xFFFF8000  }
0x115: {  	[hbm4b:s17+s3] =	stream.linear.scatter [tilespmem:s1], [sflag:$0x4], $0x8000, $0x38;
	[tilespmem:$0x19000] =	vst v63  }
0x116: {  	_ =	swait.ge [sflag:s15], $0x8000  }
0x117: {  	[sflag:s15] =	ssyncset.done $0x0  }
0x118: {  	[sflag:s15] =	ssyncadd.s32 $0xFFFF8000  }
0x119: {  	v3 =	vld [tilespmem:$0xFF0];
	_ =	sdelay $0x4  }
0x11a: {  	v4 =	vshll.u32 v3, $0x4  }
0x11b: {  	v3 =	vand.u32 $0x7, v3;
	v4 =	vand.u32 $0xFFFFFF80, v4  }
0x11c: {  	v3 =	vor.u32 v3, v4  }
0x11d: {  	v4 =	vperm.xlane v3, v0;
	_ =	sdelay $0x1  }
0x11e: {  	v4 =	vadd.s32 v1, v4;
	_ =	sdelay $0x4  }
0x11f: {  	[tilespmem:s1], [sflag:$0x1] =	stream.indirect_vreg.gather [hbm4b:s2+s3], $0x80, v4, vm0, $0xb8;
	[tilespmem:$0x19000] =	vst v63  }
0x120: {  	s0 =	simm.s32 $0x1800  }
0x121: {  	[tilespmem:s0], [sflag:$0x1] =	stream.indirect_vreg.gather [hbm4b:s5+s3], $0x80, v4, vm0, $0xb8;
	[tilespmem:$0x19000] =	vst v63  }
0x122: {  	s17 =	simm.s32 $0x2000  }
0x123: {  	[tilespmem:s17], [sflag:$0x1] =	stream.indirect_vreg.gather [hbm4b:s6+s3], $0x80, v4, vm0, $0xb8;
	[tilespmem:$0x19000] =	vst v63  }
0x124: {  	s19 =	simm.s32 $0x2800  }
0x125: {  	[tilespmem:s19], [sflag:$0x1] =	stream.indirect_vreg.gather [hbm4b:s7+s3], $0x80, v4, vm0, $0xb8;
	[tilespmem:$0x19000] =	vst v63  }
0x126: {  	s20 =	simm.s32 $0x3000  }
0x127: {  	[tilespmem:s20], [sflag:$0x1] =	stream.indirect_vreg.gather [hbm4b:s8+s3], $0x80, v4, vm0, $0xb8;
	[tilespmem:$0x19000] =	vst v63  }
0x128: {  	s21 =	simm.s32 $0x3800;
	v3 =	vperm.xlane v3, v2  }
0x129: {  	[tilespmem:s21], [sflag:$0x1] =	stream.indirect_vreg.gather [hbm4b:s9+s3], $0x80, v4, vm0, $0xb8;
	[tilespmem:$0x19000] =	vst v63  }
0x12a: {  	s22 =	simm.s32 $0x4000;
	v3 =	vadd.s32 v1, v3  }
0x12b: {  	[tilespmem:s22], [sflag:$0x1] =	stream.indirect_vreg.gather [hbm4b:s10+s3], $0x80, v4, vm0, $0xb8;
	[tilespmem:$0x19000] =	vst v63  }
0x12c: {  	s23 =	simm.s32 $0x4800  }
0x12d: {  	[tilespmem:s23], [sflag:$0x1] =	stream.indirect_vreg.gather [hbm4b:s11+s3], $0x80, v4, vm0, $0xb8;
	[tilespmem:$0x19000] =	vst v63  }
0x12e: {  	s24 =	simm.s32 $0x5000  }
0x12f: {  	[tilespmem:s24], [sflag:$0x1] =	stream.indirect_vreg.gather [hbm4b:s2+s3], $0x80, v3, vm0, $0xb8;
	[tilespmem:$0x19000] =	vst v63  }
0x130: {  	s25 =	simm.s32 $0x5800  }
0x131: {  	[tilespmem:s25], [sflag:$0x1] =	stream.indirect_vreg.gather [hbm4b:s5+s3], $0x80, v3, vm0, $0xb8;
	[tilespmem:$0x19000] =	vst v63  }
0x132: {  	s4 =	simm.s32 $0x6000  }
0x133: {  	[tilespmem:s4], [sflag:$0x1] =	stream.indirect_vreg.gather [hbm4b:s6+s3], $0x80, v3, vm0, $0xb8;
	[tilespmem:$0x19000] =	vst v63  }
0x134: {  	s12 =	simm.s32 $0x6800  }
0x135: {  	[tilespmem:s12], [sflag:$0x1] =	stream.indirect_vreg.gather [hbm4b:s7+s3], $0x80, v3, vm0, $0xb8;
	[tilespmem:$0x19000] =	vst v63  }
0x136: {  	s13 =	simm.s32 $0x7000  }
0x137: {  	[tilespmem:s13], [sflag:$0x1] =	stream.indirect_vreg.gather [hbm4b:s8+s3], $0x80, v3, vm0, $0xb8;
	[tilespmem:$0x19000] =	vst v63  }
0x138: {  	s17 =	simm.s32 $0x7800  }
0x139: {  	[tilespmem:s17], [sflag:$0x1] =	stream.indirect_vreg.gather [hbm4b:s9+s3], $0x80, v3, vm0, $0xb8;
	[tilespmem:$0x19000] =	vst v63  }
0x13a: {  	s19 =	simm.s32 $0x8000  }
0x13b: {  	[tilespmem:s19], [sflag:$0x1] =	stream.indirect_vreg.gather [hbm4b:s10+s3], $0x80, v3, vm0, $0xb8;
	[tilespmem:$0x19000] =	vst v63  }
0x13c: {  	s20 =	simm.s32 $0x8800  }
0x13d: {  	[tilespmem:s20], [sflag:$0x1] =	stream.indirect_vreg.gather [hbm4b:s11+s3], $0x80, v3, vm0, $0xb8;
	[tilespmem:$0x19000] =	vst v63  }
0x13e: {  	_ =	swait.ge [sflag:s14], $0x8000  }
0x13f: {  	[sflag:s14] =	ssyncset.done $0x0  }
0x140: {  	s21 =	rddreg [dreg:$0x6];
	[sflag:s14] =	ssyncadd.s32 $0xFFFF8000  }
0x141: {  	[hbm4b:s21+s3] =	stream.linear.scatter [tilespmem:s29], [sflag:$0x5], $0x8000, $0x38;
	[tilespmem:$0x19000] =	vst v63  }
0x142: {  	_ =	swait.ge [sflag:s28], $0x8000  }
0x143: {  	[sflag:s28] =	ssyncset.done $0x0  }
0x144: {  	s22 =	rddreg [dreg:$0x7];
	[sflag:s28] =	ssyncadd.s32 $0xFFFF8000  }
0x145: {  	[hbm4b:s22+s3] =	stream.linear.scatter [tilespmem:s18], [sflag:$0x6], $0x8000, $0x38;
	[tilespmem:$0x19000] =	vst v63  }
0x146: {  	_ =	swait.ge [sflag:s26], $0x8000  }
0x147: {  	[sflag:s26] =	ssyncset.done $0x0  }
0x148: {  	s23 =	rddreg [dreg:$0x8];
	[sflag:s26] =	ssyncadd.s32 $0xFFFF8000  }
0x149: {  	[hbm4b:s23+s3] =	stream.linear.scatter [tilespmem:s1], [sflag:$0x4], $0x8000, $0x38;
	[tilespmem:$0x19000] =	vst v63  }
0x14a: {  	_ =	swait.ge [sflag:s15], $0x8000  }
0x14b: {  	[sflag:s15] =	ssyncset.done $0x0  }
0x14c: {  	[sflag:s15] =	ssyncadd.s32 $0xFFFF8000  }
0x14d: {  	_ =	swait.ge [sflag:s16], $0x8000  }
0x14e: {  	[sflag:s16] =	ssyncset.done $0x0  }
0x14f: {  	[sflag:s16] =	ssyncadd.s32 $0xFFFF8000  }
0x150: {  	_ =	swait.ge [sflag:s30], $0x8000  }
0x151: {  	s24 =	rddreg [dreg:$0xb]  }
0x152: {  	s25 =	rddreg [dreg:$0x9];
	s1 =	sadd.s32 $0x1, s24  }
0x153: {  	s31 =	simm.s32 $0xF800;
	s0 =	simm.s32 $0x1000;
	p0 =	sne.s32 s1, s25  }
.Ltmp1:
0x154: {  	s4 =	simm.s32 $0xB000;
	s12 =	simm.s32 $0xC000;
	(pc) =	sbr.rel @p0 .LBB2_1-.Ltmp1, $4  }
0x155: {  	s13 =	simm.s32 $0x9800;
	s19 =	simm.s32 $0xE000;
	s20 =	simm.s32 $0xA800  }
0x156: {  	s21 =	simm.s32 $0xB800;
	s22 =	simm.s32 $0xC800;
	[sflag:s30] =	ssyncset.done $0x0  }
0x157: {  	s23 =	simm.s32 $0xD000;
	[sflag:s30] =	ssyncadd.s32 $0xFFFF8000;
	s24 =	simm.s32 $0xD800  }
0x158: {  	[dreg:$0xb] =	wrdreg s1;
	s1 =	simm.s32 $0xA000;
	s25 =	simm.s32 $0xF000  }
0x159: {  	_ =	sfence.sel $0x180000  }
0x15a: {  	[bflag:$0x0] =	sbarrier.arrive $0xFFFF  }
0x15b: {  	_ =	strace $0x90000047  }
0x15c: {  	s0 =	stileid.u32;
	[bflag:$0x2] =	sbarrier.arrive $0xFFFF  }
0x15d: {  	p0 =	sne.s32 s0, $0x0;
	s0 =	rddreg [dreg:$0x3]  }
0x15e: {  	s0 =	sadd.s32 @!p0 $0x100000, s0  }
0x15f: {  	[sflag:s0] =	ssyncadd.tile.s32 @!p0 $0x1;
	_ =	shalt  }
.Lfunc_end2:
_tile_overlayer_lowered:
.L_overlay_start_2:
0x160: {  	(tag) =	ssettag $0x2  }
0x161: {  	s0 =	rddreg [dreg:$0x0];
	s2 =	stileid.u32  }
0x162: {  	s1 =	rddreg [dreg:$0x1];
	p0 =	sne.s32 s2, $0x0  }
0x163: {  	s3 =	rddreg [dreg:$0x2];
	[bflag:$0x3] =	sbarrier.arrive $0xFFFF;
	s2 =	simm.s32 @!p0 $0x1C07  }
0x164: {  	[timem:s3], [sflag:s2] =	dma.local @!p0 [hbm:s0], s1  }
0x165: {  	s0 =	simm.s32 @!p0 $0x7  }
0x166: {  	_ =	swait.ge @!p0 [sflag:s0], s1  }
0x167: {  	s1 =	ssub.s32 @!p0 $0x0, s1;
	[sflag:s0] =	ssyncset.done @!p0 $0x0  }
0x168: {  	[sflag:s0] =	ssyncadd.s32 @!p0 s1  }
0x169: {  	[bflag:$0x3] =	sbarrier.arrive $0xFFFF  }
0x16a: {  	_ =	shalt  }

// kernel: kernel.7.cloned.1.call-start
scs
__scs_entry_jumppad:
0x0: {  	(pc) =	sbr.rel $0x88, $3  }
0x1: {  	(tag) =	ssettag $0x0;
	lr =	simm.s32 $0x1  }
0x2: {  	[smem:$0x3F9D] =	sst lr;
	_ =	strace $0xD0000000  }
0x3: {  	_ = 	snop  }
0x4: {  	_ = 	snop  }
0x5: {  	_ = 	snop  }
0x6: {  	_ = 	snop  }
0x7: {  	_ = 	snop  }
__scs_overlays_trampoline_lowered:
0x8: {  	[smem:$0x3FAC] =	sst s0  }
0x9: {  	[smem:$0x3FAD] =	sst s1  }
0xa: {  	[smem:$0x3FAE] =	sst s2  }
0xb: {  	[smem:$0x3FAF] =	sst s3  }
0xc: {  	[smem:$0x3FB0] =	sst s4  }
0xd: {  	[smem:$0x3FB1] =	sst s5  }
0xe: {  	[smem:$0x3FB2] =	sst s6  }
0xf: {  	[smem:$0x3FB3] =	sst s7  }
0x10: {  	[smem:$0x3FB4] =	sst s8  }
0x11: {  	[smem:$0x3FB5] =	sst s9;
	s0 =	simm.s32 @!p0 $0x0  }
0x12: {  	s1 =	sld [smem:$0x3F9B];
	s0 =	simm.s32 @p0 $0x1  }
0x13: {  	[smem:$0x3FB6] =	sst s0;
	s0 =	simm.s32 @!p1 $0x0  }
0x14: {  	s2 =	sld [smem:$0x3F9A];
	s0 =	simm.s32 @p1 $0x1  }
0x15: {  	[smem:$0x3FB7] =	sst s0;
	s0 =	simm.s32 @!p2 $0x0  }
0x16: {  	s3 =	sld [smem:$0x3FDB];
	s0 =	simm.s32 @p2 $0x1  }
0x17: {  	s4 =	simm.s32 $0x1BF5;
	[smem:$0x3FB9] =	sst s0  }
0x18: {  	s0 =	sld [smem:$0x3F9C];
	_ =	swait.ge [sflag:s4], $0x0  }
0x19: {  	s7 =	sld [smem:$0x3F9D]  }
0x1a: {  	s8 =	sadd.s32 $0xFFFFE003, lr  }
0x1b: {  	s9 =	sadd.s32 $0xFFFFFEF7, lr;
	s5 =	simm.s32 $0xFFFFFFFF;
	p2 =	slt.u32 s8, $0xFFFFF086  }
0x1c: {  	p1 =	slt.u32 s9, $0xF7A;
	s5 =	simm.s32 @!p2 $0x0  }
0x1d: {  	s5 =	simm.s32 @p1 $0x1;
	p0 =	seq.s32 s7, s2  }
0x1e: {  	s7 =	smul.u32 @!p0 $0xF7A, s2;
	p2 =	seq.s32 @!p0 s5, $0x0  }
0x1f: {  	s9 =	smul.u32 $0xF7A, s1;
	s8 =	simm.s32 @!p0 $0x1BF5;
	p2 =	por !p2, p0  }
0x20: {  	[sflag:s8] =	ssyncset.s32 @!p0 $0xFFFFF086;
	s6 =	sadd.s32 @!p0 s3, s7;
	s7 =	simm.s32 @!p0 $0x108  }
0x21: {  	s3 =	sadd.s32 s3, s9;
	s6 =	sadd.s32 @!p0 $0x88, s6;
	s7 =	simm.s32 @p2 $0x1082  }
0x22: {  	[simem:s7], [sflag:s8] =	dma.local @!p0 [hbm:s6], $0xF7A  }
0x23: {  	s9 =	sor.u32 $0xD0000000, s2;
	s6 =	simm.s32 $0x108;
	_ =	swait.ge @!p0 [sflag:s8], $0x0  }
0x24: {  	s3 =	sadd.s32 $0x88, s3;
	s6 =	simm.s32 @!p1 $0x1082;
	[sflag:s4] =	ssyncset.s32 $0xFFFFF086  }
0x25: {  	[simem:s6], [sflag:s4] =	dma.local [hbm:s3], $0xF7A  }
0x26: {  	[smem:$0x3F9D] =	sst s1;
	(tag) =	ssettag s2;
	_ =	strace s9  }
0x27: {  	s1 =	sld [smem:$0x3FAD]  }
0x28: {  	s2 =	sld [smem:$0x3FAE]  }
0x29: {  	s4 =	sld [smem:$0x3FB0]  }
0x2a: {  	p0 =	seq.s32 s5, $0x0;
	s5 =	sld [smem:$0x3FB1]  }
0x2b: {  	s6 =	sld [smem:$0x3FB2]  }
0x2c: {  	s7 =	sld [smem:$0x3FB3]  }
0x2d: {  	s3 =	simm.s32 $0x108;
	s8 =	sld [smem:$0x3FB4]  }
0x2e: {  	s3 =	simm.s32 @!p0 $0x1082;
	s9 =	sld [smem:$0x3FB5]  }
0x2f: {  	lr =	sadd.s32 s0, s3;
	s0 =	sld [smem:$0x3FAC]  }
0x30: {  	s3 =	sld [smem:$0x3FAF]  }
0x31: {  	[smem:$0x3FB8] =	sst s10  }
0x32: {  	s10 =	sld [smem:$0x3FB6];
	_ =	sdelay $0x3  }
0x33: {  	p0 =	seq.s32 s10, $0x1;
	s10 =	sld [smem:$0x3FB8];
	_ =	sdelay $0x3  }
0x34: {  	[smem:$0x3FB8] =	sst s10  }
0x35: {  	s10 =	sld [smem:$0x3FB7];
	_ =	sdelay $0x3  }
0x36: {  	p1 =	seq.s32 s10, $0x1;
	s10 =	sld [smem:$0x3FB8];
	_ =	sdelay $0x3  }
0x37: {  	[smem:$0x3FB8] =	sst s10  }
0x38: {  	s10 =	sld [smem:$0x3FB9]  }
0x39: {  	_ = 	snop;
	(pc) =	sbr.ind lr, $3  }
0x3a: {  	_ = 	snop  }
0x3b: {  	_ = 	snop  }
0x3c: {  	p2 =	seq.s32 s10, $0x1;
	s10 =	sld [smem:$0x3FB8]  }
0x3d: {  	_ =	shalt  }
0x3e: {  	_ =	shalt  }
0x3f: {  	_ =	shalt  }
0x40: {  	_ =	shalt  }
0x41: {  	_ =	shalt  }
0x42: {  	_ =	shalt  }
0x43: {  	_ =	shalt  }
0x44: {  	_ =	shalt  }
0x45: {  	_ =	shalt  }
0x46: {  	_ =	shalt  }
0x47: {  	_ =	shalt  }
0x48: {  	_ =	shalt  }
0x49: {  	_ =	shalt  }
0x4a: {  	_ =	shalt  }
0x4b: {  	_ =	shalt  }
0x4c: {  	_ =	shalt  }
0x4d: {  	_ =	shalt  }
0x4e: {  	_ =	shalt  }
0x4f: {  	_ =	shalt  }
0x50: {  	_ =	shalt  }
0x51: {  	_ =	shalt  }
0x52: {  	_ =	shalt  }
0x53: {  	_ =	shalt  }
0x54: {  	_ =	shalt  }
0x55: {  	_ =	shalt  }
0x56: {  	_ =	shalt  }
0x57: {  	_ =	shalt  }
0x58: {  	_ =	shalt  }
0x59: {  	_ =	shalt  }
0x5a: {  	_ =	shalt  }
0x5b: {  	_ =	shalt  }
0x5c: {  	_ =	shalt  }
0x5d: {  	_ =	shalt  }
0x5e: {  	_ =	shalt  }
0x5f: {  	_ =	shalt  }
0x60: {  	_ =	shalt  }
0x61: {  	_ =	shalt  }
0x62: {  	_ =	shalt  }
0x63: {  	_ =	shalt  }
0x64: {  	_ =	shalt  }
0x65: {  	_ =	shalt  }
0x66: {  	_ =	shalt  }
0x67: {  	_ =	shalt  }
0x68: {  	_ =	shalt  }
0x69: {  	_ =	shalt  }
0x6a: {  	_ =	shalt  }
0x6b: {  	_ =	shalt  }
0x6c: {  	_ =	shalt  }
0x6d: {  	_ =	shalt  }
0x6e: {  	_ =	shalt  }
0x6f: {  	_ =	shalt  }
0x70: {  	_ =	shalt  }
0x71: {  	_ =	shalt  }
0x72: {  	_ =	shalt  }
0x73: {  	_ =	shalt  }
0x74: {  	_ =	shalt  }
0x75: {  	_ =	shalt  }
0x76: {  	_ =	shalt  }
0x77: {  	_ =	shalt  }
0x78: {  	_ =	shalt  }
0x79: {  	_ =	shalt  }
0x7a: {  	_ =	shalt  }
0x7b: {  	_ =	shalt  }
0x7c: {  	_ =	shalt  }
0x7d: {  	_ =	shalt  }
0x7e: {  	_ =	shalt  }
0x7f: {  	_ =	shalt  }
0x80: {  	_ =	shalt  }
0x81: {  	_ =	shalt  }
0x82: {  	_ =	shalt  }
0x83: {  	_ =	shalt  }
0x84: {  	_ =	shalt  }
0x85: {  	_ =	shalt  }
0x86: {  	_ =	shalt  }
0x87: {  	_ =	shalt  }
.Lfunc_end0:
.L_simem_size_0:
called_computation.1_lowered:
.L_overlay_start_0:
0x88: {  	s2 =	sld [smem:$0x3FD9]  }
0x89: {  	s3 =	sld [smem:$0x3FFE];
	_ =	sdelay $0x1  }
0x8a: {  	s1 =	srdreg.scid  }
0x8b: {  	s0 =	sand.u32 $0x1, s1  }
0x8c: {  	s15 =	sshll.u32 s0, $0xA;
	s2 =	sadd.s32 s3, s2  }
0x8d: {  	s2 =	sadd.s32 s2, s15  }
0x8e: {  	[smem:$0x3FC4] =	sst s2  }
0x8f: {  	_ = 	snop  }
0x90: {  	s16 =	sld [smem:$0x3FD0];
	_ =	sdelay $0x2  }
0x91: {  	s4 =	simm.s32 $0xB;
	s5 =	simm.s32 $0x10;
	s2 =	sld [smem:$0x3FC6]  }
0x92: {  	[smem:s5], [sflag:s4] =	dma.local [hbm:s16], $0x1  }
0x93: {  	_ =	swait.eq [sflag:s4], $0x1  }
0x94: {  	[sflag:s4] =	ssyncset.done $0x0  }
0x95: {  	[sflag:s4] =	ssyncadd.s32 $0xFFFFFFFF  }
0x96: {  	s17 =	sld [smem:$0x11];
	(tm) =	ssettm $0x1  }
0x97: {  	s18 =	sld [smem:$0x3FFB];
	_ =	sdelay $0x3  }
0x98: {  	_ =	strace s18  }
0x99: {  	s3 =	sld [smem:$0x3FFC];
	_ =	sdelay $0x3  }
0x9a: {  	_ =	strace s3  }
0x9b: {  	s3 =	sld [smem:$0x3FFD];
	_ =	sdelay $0x3  }
0x9c: {  	_ =	strace s3  }
0x9d: {  	_ =	strace $0x8FFFFFFF  }
0x9e: {  	s19 =	sld [smem:$0x3FDB];
	_ =	sdelay $0x1  }
0x9f: {  	s20 =	simm.s32 $_scs_section_size  }
0xa0: {  	s6 =	simm.s32 $_size__tile_overlayer_lowered;
	s7 =	simm.s32 $_tile_overlayer_lowered  }
0xa1: {  	s8 =	simm.s32 $0x1BFF;
	s21 =	sshll.u32 s7, $0x1;
	s5 =	sadd.s32 s20, s19  }
0xa2: {  	s22 =	simm.s32 $0x0;
	s6 =	sshll.u32 s6, $0x1;
	s7 =	sadd.s32 s21, s5  }
0xa3: {  	[timem:s22], [sflag:s8] =	dma.local [hbm:s7], s6  }
0xa4: {  	_ =	swait.ge [sflag:s8], s6  }
0xa5: {  	s6 =	ssub.s32 $0x0, s6;
	[sflag:s8] =	ssyncset.done $0x0  }
0xa6: {  	[sflag:s8] =	ssyncadd.s32 s6;
	_ =	sdelay $0x1  }
0xa7: {  	s23 =	simm.s32 $0x1B8B  }
0xa8: {  	_ =	swait.ge [sflag:s23], $0x1  }
0xa9: {  	[sflag:s23] =	ssyncset.done $0x0  }
0xaa: {  	[sflag:s23] =	ssyncadd.s32 $0xFFFFFFFF  }
0xab: {  	s6 =	sld [smem:$0x0]  }
0xac: {  	s7 =	sand.u32 $0xFFFFFFFE, s1  }
0xad: {  	p0 =	sne.s32 s1, s7  }
0xae: {  	s7 =	sshll.u32 @p0 s7, $0xE  }
0xaf: {  	s7 =	sadd.s32 @p0 $0x11B8D, s7;
	s8 =	sshll.u32 @p0 s6, $0x11  }
0xb0: {  	s7 =	sor.u32 @p0 s8, s7  }
0xb1: {  	[sflag:s7] =	ssyncadd.remote.s32 @p0 $0x1;
	_ =	sdelay $0x1  }
0xb2: {  	s7 =	simm.s32 @p0 $0x1B8D  }
0xb3: {  	_ =	swait.eq @p0 [sflag:s7], $0x1  }
0xb4: {  	[sflag:s7] =	ssyncadd.s32 @p0 $0xFFFFFFFF  }
0xb5: {  	s8 =	sshll.u32 @!p0 s1, $0xE  }
0xb6: {  	s8 =	sor.u32 @!p0 $0x4000, s8;
	s7 =	simm.s32 @!p0 $0x1B8D  }
0xb7: {  	s6 =	sshll.u32 @!p0 s6, $0x11;
	s8 =	sadd.s32 @!p0 $0x11B8D, s8;
	_ =	swait.eq @!p0 [sflag:s7], $0x1  }
0xb8: {  	s6 =	sor.u32 @!p0 s6, s8;
	[sflag:s7] =	ssyncadd.s32 @!p0 $0xFFFFFFFF  }
0xb9: {  	s25 =	simm.s32 $0x1B8E;
	s24 =	sld [smem:$0x3FFE];
	[sflag:s6] =	ssyncadd.remote.s32 @!p0 $0x1  }
0xba: {  	s26 =	simm.s32 $execute0_lowered;
	[smem:$0x3FD2] =	sst s25  }
0xbb: {  	s7 =	sshll.u32 s26, $0x1;
	_ =	strace $0x80000049;
	[dreg:$0x1] =	wrdreg $0xFFFFFFFF  }
0xbc: {  	s28 =	simm.s32 $_size_execute0_lowered;
	s5 =	sadd.s32 s5, s7;
	[dreg:$0x0] =	wrdreg $0x0  }
0xbd: {  	s7 =	sshll.u32 s28, $0x1;
	[dreg:$0x2] =	wrdreg s5  }
0xbe: {  	[dreg:$0x3] =	wrdreg s7  }
0xbf: {  	[dreg:$0x4] =	wrdreg $0xC0  }
0xc0: {  	_ =	task [dreg:s22], $0x5FFFF  }
0xc1: {  	[dreg:$0x1] =	wrdreg $0xFFFFFFFF  }
0xc2: {  	[dreg:$0x0] =	wrdreg $0x60  }
0xc3: {  	[dreg:$0x2] =	wrdreg s2  }
0xc4: {  	[dreg:$0x3] =	wrdreg s24  }
0xc5: {  	[dreg:$0x4] =	wrdreg s17  }
0xc6: {  	[dreg:$0x5] =	wrdreg $0xA  }
0xc7: {  	_ =	task.clear_ibuf [dreg:s22], $0x6FFFF;
	_ =	strace $0x90000049  }
0xc8: {  	s29 =	simm.s32 $0xA;
	_ =	strace $0x8000004B  }
0xc9: {  	_ =	swait.ge [sflag:s29], $0x1  }
0xca: {  	[sflag:s29] =	ssyncadd.s32 $0xFFFFFFFF  }
0xcb: {  	_ =	strace $0x9000004B  }
0xcc: {  	_ =	sfence  }
0xcd: {  	s30 =	sld [smem:$0x0];
	_ =	sdelay $0x2  }
0xce: {  	s31 =	sshll.u32 s1, $0xD;
	s1 =	sshrl.u32 s1, $0x2  }
0xcf: {  	s4 =	sand.u32 $0x4000, s31;
	s1 =	sadd.s32 s1, s30  }
0xd0: {  	s0 =	sor.u32 s4, s0;
	s1 =	sshll.u32 s1, $0x11  }
0xd1: {  	s0 =	sor.u32 s1, s0  }
0xd2: {  	s0 =	sadd.s32 $0x8F2B, s0  }
0xd3: {  	[sflag:s0] =	ssyncadd.remote.s32 $0x1  }
0xd4: {  	_ =	sfence.sel $0xFFFF  }
0xd5: {  	[dreg:$0x0] =	wrdreg $0xFFFFFFFF;
	(pc) =	sbr.abs _section_cstart, $3  }
0xd6: {  	[dreg:$0x1] =	wrdreg $0xFFFFFFFF  }
0xd7: {  	_ =	task.clear_ibuf [dreg:s22], $0x2FFFF;
	_ =	strace $0x9FFFFFFF  }
0xd8: {  	(tm) =	ssettm $0x7FFFFFFF  }
0xd9: {  	_ =	shalt  }
tec
execute0_lowered:
.L_overlay_start_1:
0x0: {  	(tag) =	ssettag $0x1  }
0x1: {  	s2 =	rddreg [dreg:$0x0]  }
0x2: {  	s0 =	rddreg [dreg:$0x1]  }
0x3: {  	s1 =	srdreg.scid;
	s4 =	rddreg [dreg:$0x2]  }
0x4: {  	s20 =	stileid.u32;
	s3 =	simm.s32 $0x0;
	s30 =	simm.s32 $0x9000  }
0x5: {  	s31 =	simm.s32 $0x11800;
	s29 =	simm.s32 $0x12800;
	s28 =	simm.s32 $0x5  }
0x6: {  	s1 =	sand.u32 $0x1, s1;
	s5 =	sshll.u32 s20, $0xD;
	[smem:$0x7FF] =	sst s3  }
0x7: {  	s8 =	sadd.s32 $0x400, s2;
	s9 =	sadd.s32 $0x500, s2;
	s10 =	sadd.s32 $0x600, s2  }
0x8: {  	s11 =	sadd.s32 $0x700, s2;
	s12 =	sadd.s32 $0x800, s2;
	s13 =	sadd.s32 $0x900, s2  }
0x9: {  	s14 =	sadd.s32 $0xA00, s2;
	s15 =	sadd.s32 $0xB00, s2;
	s16 =	sadd.s32 $0xC00, s2  }
0xa: {  	s17 =	sadd.s32 $0xD00, s2;
	s20 =	sshll.u32 s20, $0x16;
	s6 =	sshll.u32 s1, $0xC  }
0xb: {  	s21 =	ssub.s32 $0x2, s1;
	_ =	strace $0x8000004A;
	s1 =	sshll.u32 s1, $0x15  }
0xc: {  	s18 =	sor.u32 s6, s5;
	s7 =	sshrl.u32 s21, $0x1;
	s5 =	sadd.s32 $0x100, s2  }
0xd: {  	s6 =	sshrl.u32 s18, $0x3;
	s19 =	ssub.s32 s21, s7;
	s7 =	sadd.s32 $0x300, s2  }
0xe: {  	s22 =	sshll.u32 s18, $0x9;
	s18 =	sadd.s32 $0xE00, s2;
	s0 =	sadd.s32 s6, s0  }
0xf: {  	s6 =	sadd.s32 $0x200, s2;
	s26 =	smax.u32 s19, $0x1;
	s0 =	sadd.s32 $0x4A00, s0  }
0x10: {  	s19 =	simm.s32 $0x4;
	[dreg:$0x4] =	wrdreg s0;
	s0 =	sadd.s32 s22, s4  }
0x11: {  	[dreg:$0xb] =	wrdreg s26;
	s26 =	sadd.s32 $0xF00, s2;
	s21 =	sadd.s32 $0x1FB000, s0  }
0x12: {  	s2 =	simm.s32 $0x0;
	s23 =	sadd.s32 $0x1FC000, s0;
	[dreg:$0x5] =	wrdreg s21  }
0x13: {  	s4 =	sadd.s32 s20, s4;
	s24 =	sadd.s32 $0x1FD000, s0;
	[dreg:$0x6] =	wrdreg s23  }
0x14: {  	s20 =	simm.s32 $0x11000;
	s1 =	sadd.s32 s1, s4;
	[dreg:$0x7] =	wrdreg s24  }
0x15: {  	s22 =	simm.s32 $0x1;
	s25 =	sadd.s32 $0x1FE000, s0;
	[dreg:$0x8] =	wrdreg s1  }
0x16: {  	v0 =	vlaneseq.u32;
	s0 =	sadd.s32 $0x1FF000, s0;
	s4 =	simm.s32 $0x2;
	[dreg:$0x9] =	wrdreg s25  }
0x17: {  	v1 =	vshrl.u32 v0, $0x3;
	[dreg:$0xa] =	wrdreg s0;
	s23 =	simm.s32 $0x1000;
	s1 =	simm.s32 $0x12000  }
0x18: {  	vm0 =	vmmov $0xffff;
	v0 =	vand.u32 $0x7, v0;
	v1 =	vmul.u32 $0x8, v1;
	s0 =	simm.s32 $0x13000;
	s24 =	simm.s32 $0x3;
	s21 =	simm.s32 $0x6  }
.LBB2_1:
0x19: {  	[dreg:$0xc] =	wrdreg s2  }
0x1a: {  	s25 =	rddreg [dreg:$0x4];
	s2 =	simm.s32 $0x7  }
0x1b: {  	[tilespmem:s3], [sflag:$0x7] =	stream.linear.gather [hbm4b:s25+s3], $0x1000, $0x38;
	[tilespmem:$0x19000] =	vst v63  }
0x1c: {  	_ =	swait.ge [sflag:s2], $0x1000  }
0x1d: {  	[sflag:s2] =	ssyncset.done $0x0  }
0x1e: {  	[sflag:s2] =	ssyncadd.s32 $0xFFFFF000  }
0x1f: {  	v2 =	vld.msk [tilespmem:$0x0], $0xff;
	_ =	sdelay $0x4  }
0x20: {  	v3 =	vshll.u32 v2, $0x5  }
0x21: {  	v2 =	vand.u32 $0x7, v2;
	v3 =	vand.u32 $0xFFFFFF00, v3  }
0x22: {  	v2 =	vor.u32 v2, v3  }
0x23: {  	v2 =	vperm.xlane v2, v0;
	_ =	sdelay $0x1  }
0x24: {  	v2 =	vadd.s32 v1, v2;
	_ =	sdelay $0x3  }
0x25: {  	s2 =	rddreg [dreg:$0x0]  }
0x26: {  	[tilespmem:s23], [sflag:$0x1] =	stream.indirect_vreg.gather [hbm4b:s2+s3], $0x80, v2, vm0, $0xb8;
	[tilespmem:$0x19000] =	vst v63  }
0x27: {  	s23 =	simm.s32 $0x1800  }
0x28: {  	[tilespmem:s23], [sflag:$0x1] =	stream.indirect_vreg.gather [hbm4b:s5+s3], $0x80, v2, vm0, $0xb8;
	[tilespmem:$0x19000] =	vst v63  }
0x29: {  	s25 =	simm.s32 $0x2000  }
0x2a: {  	[tilespmem:s25], [sflag:$0x1] =	stream.indirect_vreg.gather [hbm4b:s6+s3], $0x80, v2, vm0, $0xb8;
	[tilespmem:$0x19000] =	vst v63  }
0x2b: {  	s25 =	simm.s32 $0x2800  }
0x2c: {  	[tilespmem:s25], [sflag:$0x1] =	stream.indirect_vreg.gather [hbm4b:s7+s3], $0x80, v2, vm0, $0xb8;
	[tilespmem:$0x19000] =	vst v63  }
0x2d: {  	s25 =	simm.s32 $0x3000  }
0x2e: {  	[tilespmem:s25], [sflag:$0x1] =	stream.indirect_vreg.gather [hbm4b:s8+s3], $0x80, v2, vm0, $0xb8;
	[tilespmem:$0x19000] =	vst v63  }
0x2f: {  	s25 =	simm.s32 $0x3800  }
0x30: {  	[tilespmem:s25], [sflag:$0x1] =	stream.indirect_vreg.gather [hbm4b:s9+s3], $0x80, v2, vm0, $0xb8;
	[tilespmem:$0x19000] =	vst v63  }
0x31: {  	s25 =	simm.s32 $0x4000  }
0x32: {  	[tilespmem:s25], [sflag:$0x1] =	stream.indirect_vreg.gather [hbm4b:s10+s3], $0x80, v2, vm0, $0xb8;
	[tilespmem:$0x19000] =	vst v63  }
0x33: {  	s25 =	simm.s32 $0x4800  }
0x34: {  	[tilespmem:s25], [sflag:$0x1] =	stream.indirect_vreg.gather [hbm4b:s11+s3], $0x80, v2, vm0, $0xb8;
	[tilespmem:$0x19000] =	vst v63  }
0x35: {  	s25 =	simm.s32 $0x5000  }
0x36: {  	[tilespmem:s25], [sflag:$0x1] =	stream.indirect_vreg.gather [hbm4b:s12+s3], $0x80, v2, vm0, $0xb8;
	[tilespmem:$0x19000] =	vst v63  }
0x37: {  	s25 =	simm.s32 $0x5800  }
0x38: {  	[tilespmem:s25], [sflag:$0x1] =	stream.indirect_vreg.gather [hbm4b:s13+s3], $0x80, v2, vm0, $0xb8;
	[tilespmem:$0x19000] =	vst v63  }
0x39: {  	s25 =	simm.s32 $0x6000  }
0x3a: {  	[tilespmem:s25], [sflag:$0x1] =	stream.indirect_vreg.gather [hbm4b:s14+s3], $0x80, v2, vm0, $0xb8;
	[tilespmem:$0x19000] =	vst v63  }
0x3b: {  	s25 =	simm.s32 $0x6800  }
0x3c: {  	[tilespmem:s25], [sflag:$0x1] =	stream.indirect_vreg.gather [hbm4b:s15+s3], $0x80, v2, vm0, $0xb8;
	[tilespmem:$0x19000] =	vst v63  }
0x3d: {  	s25 =	simm.s32 $0x7000  }
0x3e: {  	[tilespmem:s25], [sflag:$0x1] =	stream.indirect_vreg.gather [hbm4b:s16+s3], $0x80, v2, vm0, $0xb8;
	[tilespmem:$0x19000] =	vst v63  }
0x3f: {  	s25 =	simm.s32 $0x7800  }
0x40: {  	[tilespmem:s25], [sflag:$0x1] =	stream.indirect_vreg.gather [hbm4b:s17+s3], $0x80, v2, vm0, $0xb8;
	[tilespmem:$0x19000] =	vst v63  }
0x41: {  	s25 =	simm.s32 $0x8000  }
0x42: {  	[tilespmem:s25], [sflag:$0x1] =	stream.indirect_vreg.gather [hbm4b:s18+s3], $0x80, v2, vm0, $0xb8;
	[tilespmem:$0x19000] =	vst v63  }
0x43: {  	s25 =	simm.s32 $0x8800  }
0x44: {  	[tilespmem:s25], [sflag:$0x1] =	stream.indirect_vreg.gather [hbm4b:s26+s3], $0x80, v2, vm0, $0xb8;
	[tilespmem:$0x19000] =	vst v63  }
0x45: {  	v2 =	vld.msk [tilespmem:$0x8], $0xff;
	_ =	sdelay $0x4  }
0x46: {  	v3 =	vshll.u32 v2, $0x5  }
0x47: {  	v2 =	vand.u32 $0x7, v2;
	v3 =	vand.u32 $0xFFFFFF00, v3  }
0x48: {  	v2 =	vor.u32 v2, v3  }
0x49: {  	v2 =	vperm.xlane v2, v0;
	_ =	sdelay $0x1  }
0x4a: {  	v2 =	vadd.s32 v1, v2;
	_ =	sdelay $0x4  }
0x4b: {  	[tilespmem:s30], [sflag:$0x2] =	stream.indirect_vreg.gather [hbm4b:s2+s3], $0x80, v2, vm0, $0xb8;
	[tilespmem:$0x19000] =	vst v63  }
0x4c: {  	s25 =	simm.s32 $0x9800  }
0x4d: {  	[tilespmem:s25], [sflag:$0x2] =	stream.indirect_vreg.gather [hbm4b:s5+s3], $0x80, v2, vm0, $0xb8;
	[tilespmem:$0x19000] =	vst v63  }
0x4e: {  	s25 =	simm.s32 $0xA000  }
0x4f: {  	[tilespmem:s25], [sflag:$0x2] =	stream.indirect_vreg.gather [hbm4b:s6+s3], $0x80, v2, vm0, $0xb8;
	[tilespmem:$0x19000] =	vst v63  }
0x50: {  	s25 =	simm.s32 $0xA800  }
0x51: {  	[tilespmem:s25], [sflag:$0x2] =	stream.indirect_vreg.gather [hbm4b:s7+s3], $0x80, v2, vm0, $0xb8;
	[tilespmem:$0x19000] =	vst v63  }
0x52: {  	s25 =	simm.s32 $0xB000  }
0x53: {  	[tilespmem:s25], [sflag:$0x2] =	stream.indirect_vreg.gather [hbm4b:s8+s3], $0x80, v2, vm0, $0xb8;
	[tilespmem:$0x19000] =	vst v63  }
0x54: {  	s25 =	simm.s32 $0xB800  }
0x55: {  	[tilespmem:s25], [sflag:$0x2] =	stream.indirect_vreg.gather [hbm4b:s9+s3], $0x80, v2, vm0, $0xb8;
	[tilespmem:$0x19000] =	vst v63  }
0x56: {  	s25 =	simm.s32 $0xC000  }
0x57: {  	[tilespmem:s25], [sflag:$0x2] =	stream.indirect_vreg.gather [hbm4b:s10+s3], $0x80, v2, vm0, $0xb8;
	[tilespmem:$0x19000] =	vst v63  }
0x58: {  	s25 =	simm.s32 $0xC800  }
0x59: {  	[tilespmem:s25], [sflag:$0x2] =	stream.indirect_vreg.gather [hbm4b:s11+s3], $0x80, v2, vm0, $0xb8;
	[tilespmem:$0x19000] =	vst v63  }
0x5a: {  	s25 =	simm.s32 $0xD000  }
0x5b: {  	[tilespmem:s25], [sflag:$0x2] =	stream.indirect_vreg.gather [hbm4b:s12+s3], $0x80, v2, vm0, $0xb8;
	[tilespmem:$0x19000] =	vst v63  }
0x5c: {  	s25 =	simm.s32 $0xD800  }
0x5d: {  	[tilespmem:s25], [sflag:$0x2] =	stream.indirect_vreg.gather [hbm4b:s13+s3], $0x80, v2, vm0, $0xb8;
	[tilespmem:$0x19000] =	vst v63  }
0x5e: {  	s25 =	simm.s32 $0xE000  }
0x5f: {  	[tilespmem:s25], [sflag:$0x2] =	stream.indirect_vreg.gather [hbm4b:s14+s3], $0x80, v2, vm0, $0xb8;
	[tilespmem:$0x19000] =	vst v63  }
0x60: {  	s25 =	simm.s32 $0xE800  }
0x61: {  	[tilespmem:s25], [sflag:$0x2] =	stream.indirect_vreg.gather [hbm4b:s15+s3], $0x80, v2, vm0, $0xb8;
	[tilespmem:$0x19000] =	vst v63  }
0x62: {  	s25 =	simm.s32 $0xF000  }
0x63: {  	[tilespmem:s25], [sflag:$0x2] =	stream.indirect_vreg.gather [hbm4b:s16+s3], $0x80, v2, vm0, $0xb8;
	[tilespmem:$0x19000] =	vst v63  }
0x64: {  	s25 =	simm.s32 $0xF800  }
0x65: {  	[tilespmem:s25], [sflag:$0x2] =	stream.indirect_vreg.gather [hbm4b:s17+s3], $0x80, v2, vm0, $0xb8;
	[tilespmem:$0x19000] =	vst v63  }
0x66: {  	s25 =	simm.s32 $0x10000  }
0x67: {  	[tilespmem:s25], [sflag:$0x2] =	stream.indirect_vreg.gather [hbm4b:s18+s3], $0x80, v2, vm0, $0xb8;
	[tilespmem:$0x19000] =	vst v63  }
0x68: {  	s25 =	simm.s32 $0x10800  }
0x69: {  	[tilespmem:s25], [sflag:$0x2] =	stream.indirect_vreg.gather [hbm4b:s26+s3], $0x80, v2, vm0, $0xb8;
	[tilespmem:$0x19000] =	vst v63  }
0x6a: {  	v2 =	vld.msk [tilespmem:$0x10], $0xff;
	_ =	sdelay $0x4  }
0x6b: {  	v3 =	vshll.u32 v2, $0x5  }
0x6c: {  	v2 =	vand.u32 $0x7, v2;
	v3 =	vand.u32 $0xFFFFFF00, v3  }
0x6d: {  	v2 =	vor.u32 v2, v3  }
0x6e: {  	v2 =	vperm.xlane v2, v0;
	_ =	sdelay $0x1  }
0x6f: {  	v2 =	vadd.s32 v1, v2;
	_ =	sdelay $0x4  }
0x70: {  	[tilespmem:s20], [sflag:$0x3] =	stream.indirect_vreg.gather [hbm4b:s2+s3], $0x80, v2, vm0, $0xb8;
	[tilespmem:$0x19000] =	vst v63  }
0x71: {  	_ = 	snop  }
0x72: {  	[tilespmem:s31], [sflag:$0x3] =	stream.indirect_vreg.gather [hbm4b:s5+s3], $0x80, v2, vm0, $0xb8;
	[tilespmem:$0x19000] =	vst v63  }
0x73: {  	_ = 	snop  }
0x74: {  	[tilespmem:s1], [sflag:$0x3] =	stream.indirect_vreg.gather [hbm4b:s6+s3], $0x80, v2, vm0, $0xb8;
	[tilespmem:$0x19000] =	vst v63  }
0x75: {  	_ = 	snop  }
0x76: {  	[tilespmem:s29], [sflag:$0x3] =	stream.indirect_vreg.gather [hbm4b:s7+s3], $0x80, v2, vm0, $0xb8;
	[tilespmem:$0x19000] =	vst v63  }
0x77: {  	_ = 	snop  }
0x78: {  	[tilespmem:s0], [sflag:$0x3] =	stream.indirect_vreg.gather [hbm4b:s8+s3], $0x80, v2, vm0, $0xb8;
	[tilespmem:$0x19000] =	vst v63  }
0x79: {  	s23 =	simm.s32 $0x13800  }
0x7a: {  	[tilespmem:s23], [sflag:$0x3] =	stream.indirect_vreg.gather [hbm4b:s9+s3], $0x80, v2, vm0, $0xb8;
	[tilespmem:$0x19000] =	vst v63  }
0x7b: {  	s25 =	simm.s32 $0x14000  }
0x7c: {  	[tilespmem:s25], [sflag:$0x3] =	stream.indirect_vreg.gather [hbm4b:s10+s3], $0x80, v2, vm0, $0xb8;
	[tilespmem:$0x19000] =	vst v63  }
0x7d: {  	s31 =	simm.s32 $0x14800  }
0x7e: {  	[tilespmem:s31], [sflag:$0x3] =	stream.indirect_vreg.gather [hbm4b:s11+s3], $0x80, v2, vm0, $0xb8;
	[tilespmem:$0x19000] =	vst v63  }
0x7f: {  	s1 =	simm.s32 $0x15000  }
0x80: {  	[tilespmem:s1], [sflag:$0x3] =	stream.indirect_vreg.gather [hbm4b:s12+s3], $0x80, v2, vm0, $0xb8;
	[tilespmem:$0x19000] =	vst v63  }
0x81: {  	s2 =	simm.s32 $0x15800  }
0x82: {  	[tilespmem:s2], [sflag:$0x3] =	stream.indirect_vreg.gather [hbm4b:s13+s3], $0x80, v2, vm0, $0xb8;
	[tilespmem:$0x19000] =	vst v63  }
0x83: {  	s20 =	simm.s32 $0x16000  }
0x84: {  	[tilespmem:s20], [sflag:$0x3] =	stream.indirect_vreg.gather [hbm4b:s14+s3], $0x80, v2, vm0, $0xb8;
	[tilespmem:$0x19000] =	vst v63  }
0x85: {  	s23 =	simm.s32 $0x16800  }
0x86: {  	[tilespmem:s23], [sflag:$0x3] =	stream.indirect_vreg.gather [hbm4b:s15+s3], $0x80, v2, vm0, $0xb8;
	[tilespmem:$0x19000] =	vst v63  }
0x87: {  	s25 =	simm.s32 $0x17000  }
0x88: {  	[tilespmem:s25], [sflag:$0x3] =	stream.indirect_vreg.gather [hbm4b:s16+s3], $0x80, v2, vm0, $0xb8;
	[tilespmem:$0x19000] =	vst v63  }
0x89: {  	s31 =	simm.s32 $0x17800  }
0x8a: {  	[tilespmem:s31], [sflag:$0x3] =	stream.indirect_vreg.gather [hbm4b:s17+s3], $0x80, v2, vm0, $0xb8;
	[tilespmem:$0x19000] =	vst v63  }
0x8b: {  	s0 =	simm.s32 $0x18000  }
0x8c: {  	[tilespmem:s0], [sflag:$0x3] =	stream.indirect_vreg.gather [hbm4b:s18+s3], $0x80, v2, vm0, $0xb8;
	[tilespmem:$0x19000] =	vst v63  }
0x8d: {  	s30 =	rddreg [dreg:$0x8];
	s29 =	simm.s32 $0x18800;
	s25 =	simm.s32 $0x0  }
0x8e: {  	[tilespmem:s29], [sflag:$0x3] =	stream.indirect_vreg.gather [hbm4b:s26+s3], $0x80, v2, vm0, $0xb8;
	[tilespmem:$0x19000] =	vst v63  }
.LBB2_2:
0x8f: {  	_ =	swait.ge [sflag:s22], $0x8000  }
0x90: {  	[sflag:s22] =	ssyncset.done $0x0  }
0x91: {  	s23 =	simm.s32 $0x1000;
	[sflag:s22] =	ssyncadd.s32 $0xFFFF8000  }
0x92: {  	[hbm4b:s30+s3] =	stream.linear.scatter [tilespmem:s23], [sflag:$0x4], $0x8000, $0x38;
	[tilespmem:$0x19000] =	vst v63  }
0x93: {  	_ =	swait.ge [sflag:s4], $0x8000  }
0x94: {  	[sflag:s4] =	ssyncset.done $0x0  }
0x95: {  	s31 =	sadd.s32 $0x1000, s30;
	s20 =	simm.s32 $0x9000;
	[sflag:s4] =	ssyncadd.s32 $0xFFFF8000  }
0x96: {  	[hbm4b:s31+s3] =	stream.linear.scatter [tilespmem:s20], [sflag:$0x5], $0x8000, $0x38;
	[tilespmem:$0x19000] =	vst v63  }
0x97: {  	_ =	swait.ge [sflag:s24], $0x8000  }
0x98: {  	[sflag:s24] =	ssyncset.done $0x0  }
0x99: {  	s2 =	simm.s32 $0x11000;
	s31 =	sadd.s32 $0x2000, s30;
	[sflag:s24] =	ssyncadd.s32 $0xFFFF8000  }
0x9a: {  	[hbm4b:s31+s3] =	stream.linear.scatter [tilespmem:s2], [sflag:$0x6], $0x8000, $0x38;
	[tilespmem:$0x19000] =	vst v63  }
0x9b: {  	_ =	swait.ge [sflag:s19], $0x8000  }
0x9c: {  	[sflag:s19] =	ssyncset.done $0x0  }
0x9d: {  	s31 =	sshra.s32 s25, $0x2;
	[sflag:s19] =	ssyncadd.s32 $0xFFFF8000  }
0x9e: {  	v2 =	vld.msk [tilespmem:s31+$0x18], $0xff;
	_ =	sdelay $0x4  }
0x9f: {  	v3 =	vshll.u32 v2, $0x5  }
0xa0: {  	v2 =	vand.u32 $0x7, v2;
	v3 =	vand.u32 $0xFFFFFF00, v3  }
0xa1: {  	v2 =	vor.u32 v2, v3  }
0xa2: {  	v2 =	vperm.xlane v2, v0;
	_ =	sdelay $0x1  }
0xa3: {  	v2 =	vadd.s32 v1, v2;
	_ =	sdelay $0x3  }
0xa4: {  	s1 =	rddreg [dreg:$0x0]  }
0xa5: {  	[tilespmem:s23], [sflag:$0x1] =	stream.indirect_vreg.gather [hbm4b:s1+s3], $0x80, v2, vm0, $0xb8;
	[tilespmem:$0x19000] =	vst v63  }
0xa6: {  	s23 =	simm.s32 $0x1800  }
0xa7: {  	[tilespmem:s23], [sflag:$0x1] =	stream.indirect_vreg.gather [hbm4b:s5+s3], $0x80, v2, vm0, $0xb8;
	[tilespmem:$0x19000] =	vst v63  }
0xa8: {  	s23 =	simm.s32 $0x2000  }
0xa9: {  	[tilespmem:s23], [sflag:$0x1] =	stream.indirect_vreg.gather [hbm4b:s6+s3], $0x80, v2, vm0, $0xb8;
	[tilespmem:$0x19000] =	vst v63  }
0xaa: {  	s23 =	simm.s32 $0x2800  }
0xab: {  	[tilespmem:s23], [sflag:$0x1] =	stream.indirect_vreg.gather [hbm4b:s7+s3], $0x80, v2, vm0, $0xb8;
	[tilespmem:$0x19000] =	vst v63  }
0xac: {  	s23 =	simm.s32 $0x3000  }
0xad: {  	[tilespmem:s23], [sflag:$0x1] =	stream.indirect_vreg.gather [hbm4b:s8+s3], $0x80, v2, vm0, $0xb8;
	[tilespmem:$0x19000] =	vst v63  }
0xae: {  	s23 =	simm.s32 $0x3800  }
0xaf: {  	[tilespmem:s23], [sflag:$0x1] =	stream.indirect_vreg.gather [hbm4b:s9+s3], $0x80, v2, vm0, $0xb8;
	[tilespmem:$0x19000] =	vst v63  }
0xb0: {  	s23 =	simm.s32 $0x4000  }
0xb1: {  	[tilespmem:s23], [sflag:$0x1] =	stream.indirect_vreg.gather [hbm4b:s10+s3], $0x80, v2, vm0, $0xb8;
	[tilespmem:$0x19000] =	vst v63  }
0xb2: {  	s23 =	simm.s32 $0x4800  }
0xb3: {  	[tilespmem:s23], [sflag:$0x1] =	stream.indirect_vreg.gather [hbm4b:s11+s3], $0x80, v2, vm0, $0xb8;
	[tilespmem:$0x19000] =	vst v63  }
0xb4: {  	s23 =	simm.s32 $0x5000  }
0xb5: {  	[tilespmem:s23], [sflag:$0x1] =	stream.indirect_vreg.gather [hbm4b:s12+s3], $0x80, v2, vm0, $0xb8;
	[tilespmem:$0x19000] =	vst v63  }
0xb6: {  	s23 =	simm.s32 $0x5800  }
0xb7: {  	[tilespmem:s23], [sflag:$0x1] =	stream.indirect_vreg.gather [hbm4b:s13+s3], $0x80, v2, vm0, $0xb8;
	[tilespmem:$0x19000] =	vst v63  }
0xb8: {  	s23 =	simm.s32 $0x6000  }
0xb9: {  	[tilespmem:s23], [sflag:$0x1] =	stream.indirect_vreg.gather [hbm4b:s14+s3], $0x80, v2, vm0, $0xb8;
	[tilespmem:$0x19000] =	vst v63  }
0xba: {  	s23 =	simm.s32 $0x6800  }
0xbb: {  	[tilespmem:s23], [sflag:$0x1] =	stream.indirect_vreg.gather [hbm4b:s15+s3], $0x80, v2, vm0, $0xb8;
	[tilespmem:$0x19000] =	vst v63  }
0xbc: {  	s23 =	simm.s32 $0x7000  }
0xbd: {  	[tilespmem:s23], [sflag:$0x1] =	stream.indirect_vreg.gather [hbm4b:s16+s3], $0x80, v2, vm0, $0xb8;
	[tilespmem:$0x19000] =	vst v63  }
0xbe: {  	s23 =	simm.s32 $0x7800  }
0xbf: {  	[tilespmem:s23], [sflag:$0x1] =	stream.indirect_vreg.gather [hbm4b:s17+s3], $0x80, v2, vm0, $0xb8;
	[tilespmem:$0x19000] =	vst v63  }
0xc0: {  	s23 =	simm.s32 $0x8000  }
0xc1: {  	[tilespmem:s23], [sflag:$0x1] =	stream.indirect_vreg.gather [hbm4b:s18+s3], $0x80, v2, vm0, $0xb8;
	[tilespmem:$0x19000] =	vst v63  }
0xc2: {  	s23 =	simm.s32 $0x8800  }
0xc3: {  	[tilespmem:s23], [sflag:$0x1] =	stream.indirect_vreg.gather [hbm4b:s26+s3], $0x80, v2, vm0, $0xb8;
	[tilespmem:$0x19000] =	vst v63  }
0xc4: {  	_ =	swait.ge [sflag:s28], $0x8000  }
0xc5: {  	[sflag:s28] =	ssyncset.done $0x0  }
0xc6: {  	[sflag:s28] =	ssyncadd.s32 $0xFFFF8000  }
0xc7: {  	v2 =	vld.msk [tilespmem:s31+$0x20], $0xff;
	_ =	sdelay $0x4  }
0xc8: {  	v3 =	vshll.u32 v2, $0x5  }
0xc9: {  	v2 =	vand.u32 $0x7, v2;
	v3 =	vand.u32 $0xFFFFFF00, v3  }
0xca: {  	v2 =	vor.u32 v2, v3  }
0xcb: {  	v2 =	vperm.xlane v2, v0;
	_ =	sdelay $0x1  }
0xcc: {  	v2 =	vadd.s32 v1, v2;
	_ =	sdelay $0x4  }
0xcd: {  	[tilespmem:s20], [sflag:$0x2] =	stream.indirect_vreg.gather [hbm4b:s1+s3], $0x80, v2, vm0, $0xb8;
	[tilespmem:$0x19000] =	vst v63  }
0xce: {  	s20 =	simm.s32 $0x9800  }
0xcf: {  	[tilespmem:s20], [sflag:$0x2] =	stream.indirect_vreg.gather [hbm4b:s5+s3], $0x80, v2, vm0, $0xb8;
	[tilespmem:$0x19000] =	vst v63  }
0xd0: {  	s20 =	simm.s32 $0xA000  }
0xd1: {  	[tilespmem:s20], [sflag:$0x2] =	stream.indirect_vreg.gather [hbm4b:s6+s3], $0x80, v2, vm0, $0xb8;
	[tilespmem:$0x19000] =	vst v63  }
0xd2: {  	s20 =	simm.s32 $0xA800  }
0xd3: {  	[tilespmem:s20], [sflag:$0x2] =	stream.indirect_vreg.gather [hbm4b:s7+s3], $0x80, v2, vm0, $0xb8;
	[tilespmem:$0x19000] =	vst v63  }
0xd4: {  	s20 =	simm.s32 $0xB000  }
0xd5: {  	[tilespmem:s20], [sflag:$0x2] =	stream.indirect_vreg.gather [hbm4b:s8+s3], $0x80, v2, vm0, $0xb8;
	[tilespmem:$0x19000] =	vst v63  }
0xd6: {  	s20 =	simm.s32 $0xB800  }
0xd7: {  	[tilespmem:s20], [sflag:$0x2] =	stream.indirect_vreg.gather [hbm4b:s9+s3], $0x80, v2, vm0, $0xb8;
	[tilespmem:$0x19000] =	vst v63  }
0xd8: {  	s20 =	simm.s32 $0xC000  }
0xd9: {  	[tilespmem:s20], [sflag:$0x2] =	stream.indirect_vreg.gather [hbm4b:s10+s3], $0x80, v2, vm0, $0xb8;
	[tilespmem:$0x19000] =	vst v63  }
0xda: {  	s20 =	simm.s32 $0xC800  }
0xdb: {  	[tilespmem:s20], [sflag:$0x2] =	stream.indirect_vreg.gather [hbm4b:s11+s3], $0x80, v2, vm0, $0xb8;
	[tilespmem:$0x19000] =	vst v63  }
0xdc: {  	s20 =	simm.s32 $0xD000  }
0xdd: {  	[tilespmem:s20], [sflag:$0x2] =	stream.indirect_vreg.gather [hbm4b:s12+s3], $0x80, v2, vm0, $0xb8;
	[tilespmem:$0x19000] =	vst v63  }
0xde: {  	s20 =	simm.s32 $0xD800  }
0xdf: {  	[tilespmem:s20], [sflag:$0x2] =	stream.indirect_vreg.gather [hbm4b:s13+s3], $0x80, v2, vm0, $0xb8;
	[tilespmem:$0x19000] =	vst v63  }
0xe0: {  	s20 =	simm.s32 $0xE000  }
0xe1: {  	[tilespmem:s20], [sflag:$0x2] =	stream.indirect_vreg.gather [hbm4b:s14+s3], $0x80, v2, vm0, $0xb8;
	[tilespmem:$0x19000] =	vst v63  }
0xe2: {  	s20 =	simm.s32 $0xE800  }
0xe3: {  	[tilespmem:s20], [sflag:$0x2] =	stream.indirect_vreg.gather [hbm4b:s15+s3], $0x80, v2, vm0, $0xb8;
	[tilespmem:$0x19000] =	vst v63  }
0xe4: {  	s20 =	simm.s32 $0xF000  }
0xe5: {  	[tilespmem:s20], [sflag:$0x2] =	stream.indirect_vreg.gather [hbm4b:s16+s3], $0x80, v2, vm0, $0xb8;
	[tilespmem:$0x19000] =	vst v63  }
0xe6: {  	s20 =	simm.s32 $0xF800  }
0xe7: {  	[tilespmem:s20], [sflag:$0x2] =	stream.indirect_vreg.gather [hbm4b:s17+s3], $0x80, v2, vm0, $0xb8;
	[tilespmem:$0x19000] =	vst v63  }
0xe8: {  	s20 =	simm.s32 $0x10000  }
0xe9: {  	[tilespmem:s20], [sflag:$0x2] =	stream.indirect_vreg.gather [hbm4b:s18+s3], $0x80, v2, vm0, $0xb8;
	[tilespmem:$0x19000] =	vst v63  }
0xea: {  	s20 =	simm.s32 $0x10800  }
0xeb: {  	[tilespmem:s20], [sflag:$0x2] =	stream.indirect_vreg.gather [hbm4b:s26+s3], $0x80, v2, vm0, $0xb8;
	[tilespmem:$0x19000] =	vst v63  }
0xec: {  	_ =	swait.ge [sflag:s21], $0x8000  }
0xed: {  	[sflag:s21] =	ssyncset.done $0x0  }
0xee: {  	[sflag:s21] =	ssyncadd.s32 $0xFFFF8000  }
0xef: {  	v2 =	vld.msk [tilespmem:s31+$0x28], $0xff;
	_ =	sdelay $0x4  }
0xf0: {  	v3 =	vshll.u32 v2, $0x5  }
0xf1: {  	v2 =	vand.u32 $0x7, v2;
	v3 =	vand.u32 $0xFFFFFF00, v3  }
0xf2: {  	v2 =	vor.u32 v2, v3  }
0xf3: {  	v2 =	vperm.xlane v2, v0;
	_ =	sdelay $0x1  }
0xf4: {  	v2 =	vadd.s32 v1, v2;
	_ =	sdelay $0x4  }
0xf5: {  	[tilespmem:s2], [sflag:$0x3] =	stream.indirect_vreg.gather [hbm4b:s1+s3], $0x80, v2, vm0, $0xb8;
	[tilespmem:$0x19000] =	vst v63  }
0xf6: {  	s31 =	simm.s32 $0x11800  }
0xf7: {  	[tilespmem:s31], [sflag:$0x3] =	stream.indirect_vreg.gather [hbm4b:s5+s3], $0x80, v2, vm0, $0xb8;
	[tilespmem:$0x19000] =	vst v63  }
0xf8: {  	s2 =	simm.s32 $0x12000  }
0xf9: {  	[tilespmem:s2], [sflag:$0x3] =	stream.indirect_vreg.gather [hbm4b:s6+s3], $0x80, v2, vm0, $0xb8;
	[tilespmem:$0x19000] =	vst v63  }
0xfa: {  	s23 =	simm.s32 $0x12800  }
0xfb: {  	[tilespmem:s23], [sflag:$0x3] =	stream.indirect_vreg.gather [hbm4b:s7+s3], $0x80, v2, vm0, $0xb8;
	[tilespmem:$0x19000] =	vst v63  }
0xfc: {  	s2 =	simm.s32 $0x13000  }
0xfd: {  	[tilespmem:s2], [sflag:$0x3] =	stream.indirect_vreg.gather [hbm4b:s8+s3], $0x80, v2, vm0, $0xb8;
	[tilespmem:$0x19000] =	vst v63  }
0xfe: {  	s23 =	simm.s32 $0x13800  }
0xff: {  	[tilespmem:s23], [sflag:$0x3] =	stream.indirect_vreg.gather [hbm4b:s9+s3], $0x80, v2, vm0, $0xb8;
	[tilespmem:$0x19000] =	vst v63  }
0x100: {  	s2 =	simm.s32 $0x14000  }
0x101: {  	[tilespmem:s2], [sflag:$0x3] =	stream.indirect_vreg.gather [hbm4b:s10+s3], $0x80, v2, vm0, $0xb8;
	[tilespmem:$0x19000] =	vst v63  }
0x102: {  	s23 =	simm.s32 $0x14800  }
0x103: {  	[tilespmem:s23], [sflag:$0x3] =	stream.indirect_vreg.gather [hbm4b:s11+s3], $0x80, v2, vm0, $0xb8;
	[tilespmem:$0x19000] =	vst v63  }
0x104: {  	s2 =	simm.s32 $0x15000  }
0x105: {  	[tilespmem:s2], [sflag:$0x3] =	stream.indirect_vreg.gather [hbm4b:s12+s3], $0x80, v2, vm0, $0xb8;
	[tilespmem:$0x19000] =	vst v63  }
0x106: {  	s23 =	simm.s32 $0x15800  }
0x107: {  	[tilespmem:s23], [sflag:$0x3] =	stream.indirect_vreg.gather [hbm4b:s13+s3], $0x80, v2, vm0, $0xb8;
	[tilespmem:$0x19000] =	vst v63  }
0x108: {  	s2 =	simm.s32 $0x16000  }
0x109: {  	[tilespmem:s2], [sflag:$0x3] =	stream.indirect_vreg.gather [hbm4b:s14+s3], $0x80, v2, vm0, $0xb8;
	[tilespmem:$0x19000] =	vst v63  }
0x10a: {  	s23 =	simm.s32 $0x16800  }
0x10b: {  	[tilespmem:s23], [sflag:$0x3] =	stream.indirect_vreg.gather [hbm4b:s15+s3], $0x80, v2, vm0, $0xb8;
	[tilespmem:$0x19000] =	vst v63  }
0x10c: {  	s2 =	simm.s32 $0x17000  }
0x10d: {  	[tilespmem:s2], [sflag:$0x3] =	stream.indirect_vreg.gather [hbm4b:s16+s3], $0x80, v2, vm0, $0xb8;
	[tilespmem:$0x19000] =	vst v63  }
0x10e: {  	p0 =	sne.s32 s25, $0x3F00;
	s23 =	simm.s32 $0x17800  }
0x10f: {  	[tilespmem:s23], [sflag:$0x3] =	stream.indirect_vreg.gather [hbm4b:s17+s3], $0x80, v2, vm0, $0xb8;
	[tilespmem:$0x19000] =	vst v63  }
.Ltmp0:
0x110: {  	_ = 	snop;
	(pc) =	sbr.rel @p0 .LBB2_2-.Ltmp0, $4  }
0x111: {  	_ = 	snop  }
0x112: {  	[tilespmem:s0], [sflag:$0x3] =	stream.indirect_vreg.gather [hbm4b:s18+s3], $0x80, v2, vm0, $0xb8;
	[tilespmem:$0x19000] =	vst v63  }
0x113: {  	s30 =	sadd.s32 $0x3000, s30;
	s25 =	sadd.s32 $0x60, s25;
	s20 =	simm.s32 $0x11000  }
0x114: {  	[tilespmem:s29], [sflag:$0x3] =	stream.indirect_vreg.gather [hbm4b:s26+s3], $0x80, v2, vm0, $0xb8;
	[tilespmem:$0x19000] =	vst v63  }
0x115: {  	_ =	swait.ge [sflag:s22], $0x8000  }
0x116: {  	[sflag:s22] =	ssyncset.done $0x0  }
0x117: {  	s1 =	simm.s32 $0x1000;
	s25 =	rddreg [dreg:$0x5];
	[sflag:s22] =	ssyncadd.s32 $0xFFFF8000  }
0x118: {  	[hbm4b:s25+s3] =	stream.linear.scatter [tilespmem:s1], [sflag:$0x4], $0x8000, $0x38;
	[tilespmem:$0x19000] =	vst v63  }
0x119: {  	_ =	swait.ge [sflag:s19], $0x8000  }
0x11a: {  	[sflag:s19] =	ssyncset.done $0x0  }
0x11b: {  	[sflag:s19] =	ssyncadd.s32 $0xFFFF8000  }
0x11c: {  	v2 =	vld.msk [tilespmem:$0xFF0], $0xff;
	_ =	sdelay $0x4  }
0x11d: {  	v3 =	vshll.u32 v2, $0x5  }
0x11e: {  	v2 =	vand.u32 $0x7, v2;
	v3 =	vand.u32 $0xFFFFFF00, v3  }
0x11f: {  	v2 =	vor.u32 v2, v3  }
0x120: {  	v2 =	vperm.xlane v2, v0;
	_ =	sdelay $0x1  }
0x121: {  	v2 =	vadd.s32 v1, v2;
	_ =	sdelay $0x3  }
0x122: {  	s2 =	rddreg [dreg:$0x0]  }
0x123: {  	[tilespmem:s1], [sflag:$0x1] =	stream.indirect_vreg.gather [hbm4b:s2+s3], $0x80, v2, vm0, $0xb8;
	[tilespmem:$0x19000] =	vst v63  }
0x124: {  	s23 =	simm.s32 $0x1800  }
0x125: {  	[tilespmem:s23], [sflag:$0x1] =	stream.indirect_vreg.gather [hbm4b:s5+s3], $0x80, v2, vm0, $0xb8;
	[tilespmem:$0x19000] =	vst v63  }
0x126: {  	s25 =	simm.s32 $0x2000  }
0x127: {  	[tilespmem:s25], [sflag:$0x1] =	stream.indirect_vreg.gather [hbm4b:s6+s3], $0x80, v2, vm0, $0xb8;
	[tilespmem:$0x19000] =	vst v63  }
0x128: {  	s0 =	simm.s32 $0x2800  }
0x129: {  	[tilespmem:s0], [sflag:$0x1] =	stream.indirect_vreg.gather [hbm4b:s7+s3], $0x80, v2, vm0, $0xb8;
	[tilespmem:$0x19000] =	vst v63  }
0x12a: {  	s25 =	simm.s32 $0x3000  }
0x12b: {  	[tilespmem:s25], [sflag:$0x1] =	stream.indirect_vreg.gather [hbm4b:s8+s3], $0x80, v2, vm0, $0xb8;
	[tilespmem:$0x19000] =	vst v63  }
0x12c: {  	s0 =	simm.s32 $0x3800  }
0x12d: {  	[tilespmem:s0], [sflag:$0x1] =	stream.indirect_vreg.gather [hbm4b:s9+s3], $0x80, v2, vm0, $0xb8;
	[tilespmem:$0x19000] =	vst v63  }
0x12e: {  	s25 =	simm.s32 $0x4000  }
0x12f: {  	[tilespmem:s25], [sflag:$0x1] =	stream.indirect_vreg.gather [hbm4b:s10+s3], $0x80, v2, vm0, $0xb8;
	[tilespmem:$0x19000] =	vst v63  }
0x130: {  	s0 =	simm.s32 $0x4800  }
0x131: {  	[tilespmem:s0], [sflag:$0x1] =	stream.indirect_vreg.gather [hbm4b:s11+s3], $0x80, v2, vm0, $0xb8;
	[tilespmem:$0x19000] =	vst v63  }
0x132: {  	s25 =	simm.s32 $0x5000  }
0x133: {  	[tilespmem:s25], [sflag:$0x1] =	stream.indirect_vreg.gather [hbm4b:s12+s3], $0x80, v2, vm0, $0xb8;
	[tilespmem:$0x19000] =	vst v63  }
0x134: {  	s0 =	simm.s32 $0x5800  }
0x135: {  	[tilespmem:s0], [sflag:$0x1] =	stream.indirect_vreg.gather [hbm4b:s13+s3], $0x80, v2, vm0, $0xb8;
	[tilespmem:$0x19000] =	vst v63  }
0x136: {  	s25 =	simm.s32 $0x6000  }
0x137: {  	[tilespmem:s25], [sflag:$0x1] =	stream.indirect_vreg.gather [hbm4b:s14+s3], $0x80, v2, vm0, $0xb8;
	[tilespmem:$0x19000] =	vst v63  }
0x138: {  	s0 =	simm.s32 $0x6800  }
0x139: {  	[tilespmem:s0], [sflag:$0x1] =	stream.indirect_vreg.gather [hbm4b:s15+s3], $0x80, v2, vm0, $0xb8;
	[tilespmem:$0x19000] =	vst v63  }
0x13a: {  	s25 =	simm.s32 $0x7000  }
0x13b: {  	[tilespmem:s25], [sflag:$0x1] =	stream.indirect_vreg.gather [hbm4b:s16+s3], $0x80, v2, vm0, $0xb8;
	[tilespmem:$0x19000] =	vst v63  }
0x13c: {  	s0 =	simm.s32 $0x7800  }
0x13d: {  	[tilespmem:s0], [sflag:$0x1] =	stream.indirect_vreg.gather [hbm4b:s17+s3], $0x80, v2, vm0, $0xb8;
	[tilespmem:$0x19000] =	vst v63  }
0x13e: {  	s25 =	simm.s32 $0x8000  }
0x13f: {  	[tilespmem:s25], [sflag:$0x1] =	stream.indirect_vreg.gather [hbm4b:s18+s3], $0x80, v2, vm0, $0xb8;
	[tilespmem:$0x19000] =	vst v63  }
0x140: {  	s0 =	simm.s32 $0x8800  }
0x141: {  	[tilespmem:s0], [sflag:$0x1] =	stream.indirect_vreg.gather [hbm4b:s26+s3], $0x80, v2, vm0, $0xb8;
	[tilespmem:$0x19000] =	vst v63  }
0x142: {  	_ =	swait.ge [sflag:s4], $0x8000  }
0x143: {  	[sflag:s4] =	ssyncset.done $0x0  }
0x144: {  	s0 =	simm.s32 $0x9000;
	s23 =	rddreg [dreg:$0x6];
	[sflag:s4] =	ssyncadd.s32 $0xFFFF8000  }
0x145: {  	[hbm4b:s23+s3] =	stream.linear.scatter [tilespmem:s0], [sflag:$0x5], $0x8000, $0x38;
	[tilespmem:$0x19000] =	vst v63  }
0x146: {  	_ =	swait.ge [sflag:s28], $0x8000  }
0x147: {  	[sflag:s28] =	ssyncset.done $0x0  }
0x148: {  	[sflag:s28] =	ssyncadd.s32 $0xFFFF8000  }
0x149: {  	v2 =	vld.msk [tilespmem:$0xFF8], $0xff;
	_ =	sdelay $0x4  }
0x14a: {  	v3 =	vshll.u32 v2, $0x5  }
0x14b: {  	v2 =	vand.u32 $0x7, v2;
	v3 =	vand.u32 $0xFFFFFF00, v3  }
0x14c: {  	v2 =	vor.u32 v2, v3  }
0x14d: {  	v2 =	vperm.xlane v2, v0;
	_ =	sdelay $0x1  }
0x14e: {  	v2 =	vadd.s32 v1, v2;
	_ =	sdelay $0x4  }
0x14f: {  	[tilespmem:s0], [sflag:$0x2] =	stream.indirect_vreg.gather [hbm4b:s2+s3], $0x80, v2, vm0, $0xb8;
	[tilespmem:$0x19000] =	vst v63  }
0x150: {  	s2 =	simm.s32 $0x9800  }
0x151: {  	[tilespmem:s2], [sflag:$0x2] =	stream.indirect_vreg.gather [hbm4b:s5+s3], $0x80, v2, vm0, $0xb8;
	[tilespmem:$0x19000] =	vst v63  }
0x152: {  	s25 =	simm.s32 $0xA000  }
0x153: {  	[tilespmem:s25], [sflag:$0x2] =	stream.indirect_vreg.gather [hbm4b:s6+s3], $0x80, v2, vm0, $0xb8;
	[tilespmem:$0x19000] =	vst v63  }
0x154: {  	s2 =	simm.s32 $0xA800  }
0x155: {  	[tilespmem:s2], [sflag:$0x2] =	stream.indirect_vreg.gather [hbm4b:s7+s3], $0x80, v2, vm0, $0xb8;
	[tilespmem:$0x19000] =	vst v63  }
0x156: {  	s25 =	simm.s32 $0xB000  }
0x157: {  	[tilespmem:s25], [sflag:$0x2] =	stream.indirect_vreg.gather [hbm4b:s8+s3], $0x80, v2, vm0, $0xb8;
	[tilespmem:$0x19000] =	vst v63  }
0x158: {  	s2 =	simm.s32 $0xB800  }
0x159: {  	[tilespmem:s2], [sflag:$0x2] =	stream.indirect_vreg.gather [hbm4b:s9+s3], $0x80, v2, vm0, $0xb8;
	[tilespmem:$0x19000] =	vst v63  }
0x15a: {  	s25 =	simm.s32 $0xC000  }
0x15b: {  	[tilespmem:s25], [sflag:$0x2] =	stream.indirect_vreg.gather [hbm4b:s10+s3], $0x80, v2, vm0, $0xb8;
	[tilespmem:$0x19000] =	vst v63  }
0x15c: {  	s2 =	simm.s32 $0xC800  }
0x15d: {  	[tilespmem:s2], [sflag:$0x2] =	stream.indirect_vreg.gather [hbm4b:s11+s3], $0x80, v2, vm0, $0xb8;
	[tilespmem:$0x19000] =	vst v63  }
0x15e: {  	s25 =	simm.s32 $0xD000  }
0x15f: {  	[tilespmem:s25], [sflag:$0x2] =	stream.indirect_vreg.gather [hbm4b:s12+s3], $0x80, v2, vm0, $0xb8;
	[tilespmem:$0x19000] =	vst v63  }
0x160: {  	s2 =	simm.s32 $0xD800  }
0x161: {  	[tilespmem:s2], [sflag:$0x2] =	stream.indirect_vreg.gather [hbm4b:s13+s3], $0x80, v2, vm0, $0xb8;
	[tilespmem:$0x19000] =	vst v63  }
0x162: {  	s25 =	simm.s32 $0xE000  }
0x163: {  	[tilespmem:s25], [sflag:$0x2] =	stream.indirect_vreg.gather [hbm4b:s14+s3], $0x80, v2, vm0, $0xb8;
	[tilespmem:$0x19000] =	vst v63  }
0x164: {  	s2 =	simm.s32 $0xE800  }
0x165: {  	[tilespmem:s2], [sflag:$0x2] =	stream.indirect_vreg.gather [hbm4b:s15+s3], $0x80, v2, vm0, $0xb8;
	[tilespmem:$0x19000] =	vst v63  }
0x166: {  	s25 =	simm.s32 $0xF000  }
0x167: {  	[tilespmem:s25], [sflag:$0x2] =	stream.indirect_vreg.gather [hbm4b:s16+s3], $0x80, v2, vm0, $0xb8;
	[tilespmem:$0x19000] =	vst v63  }
0x168: {  	s2 =	simm.s32 $0xF800  }
0x169: {  	[tilespmem:s2], [sflag:$0x2] =	stream.indirect_vreg.gather [hbm4b:s17+s3], $0x80, v2, vm0, $0xb8;
	[tilespmem:$0x19000] =	vst v63  }
0x16a: {  	s25 =	simm.s32 $0x10000  }
0x16b: {  	[tilespmem:s25], [sflag:$0x2] =	stream.indirect_vreg.gather [hbm4b:s18+s3], $0x80, v2, vm0, $0xb8;
	[tilespmem:$0x19000] =	vst v63  }
0x16c: {  	s2 =	simm.s32 $0x10800  }
0x16d: {  	[tilespmem:s2], [sflag:$0x2] =	stream.indirect_vreg.gather [hbm4b:s26+s3], $0x80, v2, vm0, $0xb8;
	[tilespmem:$0x19000] =	vst v63  }
0x16e: {  	_ =	swait.ge [sflag:s24], $0x8000  }
0x16f: {  	[sflag:s24] =	ssyncset.done $0x0  }
0x170: {  	s23 =	rddreg [dreg:$0x7];
	[sflag:s24] =	ssyncadd.s32 $0xFFFF8000  }
0x171: {  	[hbm4b:s23+s3] =	stream.linear.scatter [tilespmem:s20], [sflag:$0x6], $0x8000, $0x38;
	[tilespmem:$0x19000] =	vst v63  }
0x172: {  	_ =	swait.ge [sflag:s22], $0x8000  }
0x173: {  	[sflag:s22] =	ssyncset.done $0x0  }
0x174: {  	s2 =	rddreg [dreg:$0x9];
	[sflag:s22] =	ssyncadd.s32 $0xFFFF8000  }
0x175: {  	[hbm4b:s2+s3] =	stream.linear.scatter [tilespmem:s1], [sflag:$0x4], $0x8000, $0x38;
	[tilespmem:$0x19000] =	vst v63  }
0x176: {  	_ =	swait.ge [sflag:s4], $0x8000  }
0x177: {  	[sflag:s4] =	ssyncset.done $0x0  }
0x178: {  	s2 =	rddreg [dreg:$0xa];
	[sflag:s4] =	ssyncadd.s32 $0xFFFF8000  }
0x179: {  	[hbm4b:s2+s3] =	stream.linear.scatter [tilespmem:s0], [sflag:$0x5], $0x8000, $0x38;
	[tilespmem:$0x19000] =	vst v63  }
0x17a: {  	_ =	swait.ge [sflag:s19], $0x8000  }
0x17b: {  	[sflag:s19] =	ssyncset.done $0x0  }
0x17c: {  	[sflag:s19] =	ssyncadd.s32 $0xFFFF8000  }
0x17d: {  	_ =	swait.ge [sflag:s28], $0x8000  }
0x17e: {  	[sflag:s28] =	ssyncset.done $0x0  }
0x17f: {  	[sflag:s28] =	ssyncadd.s32 $0xFFFF8000  }
0x180: {  	_ =	swait.ge [sflag:s21], $0x8000  }
0x181: {  	s0 =	rddreg [dreg:$0xc]  }
0x182: {  	s1 =	rddreg [dreg:$0xb];
	s2 =	sadd.s32 $0x1, s0  }
0x183: {  	p0 =	sne.s32 s2, s1  }
.Ltmp1:
0x184: {  	_ = 	snop;
	(pc) =	sbr.rel @p0 .LBB2_1-.Ltmp1, $4  }
0x185: {  	_ = 	snop  }
0x186: {  	s30 =	simm.s32 $0x9000  }
0x187: {  	s29 =	simm.s32 $0x12800;
	s23 =	simm.s32 $0x1000;
	[sflag:s21] =	ssyncset.done $0x0  }
0x188: {  	[sflag:s21] =	ssyncadd.s32 $0xFFFF8000;
	s0 =	simm.s32 $0x13000;
	s1 =	simm.s32 $0x12000  }
0x189: {  	_ =	sfence.sel $0x180000  }
0x18a: {  	[bflag:$0x0] =	sbarrier.arrive $0xFFFF  }
0x18b: {  	_ =	strace $0x9000004A  }
0x18c: {  	s0 =	stileid.u32;
	[bflag:$0x2] =	sbarrier.arrive $0xFFFF  }
0x18d: {  	p0 =	sne.s32 s0, $0x0;
	s0 =	rddreg [dreg:$0x3]  }
0x18e: {  	s0 =	sadd.s32 @!p0 $0x100000, s0  }
0x18f: {  	[sflag:s0] =	ssyncadd.tile.s32 @!p0 $0x1;
	_ =	shalt  }
.Lfunc_end2:
_tile_overlayer_lowered:
.L_overlay_start_2:
0x190: {  	(tag) =	ssettag $0x2  }
0x191: {  	s0 =	rddreg [dreg:$0x0];
	s2 =	stileid.u32  }
0x192: {  	s1 =	rddreg [dreg:$0x1];
	p0 =	sne.s32 s2, $0x0  }
0x193: {  	s3 =	rddreg [dreg:$0x2];
	[bflag:$0x3] =	sbarrier.arrive $0xFFFF;
	s2 =	simm.s32 @!p0 $0x1C07  }
0x194: {  	[timem:s3], [sflag:s2] =	dma.local @!p0 [hbm:s0], s1  }
0x195: {  	s0 =	simm.s32 @!p0 $0x7  }
0x196: {  	_ =	swait.ge @!p0 [sflag:s0], s1  }
0x197: {  	s1 =	ssub.s32 @!p0 $0x0, s1;
	[sflag:s0] =	ssyncset.done @!p0 $0x0  }
0x198: {  	[sflag:s0] =	ssyncadd.s32 @!p0 s1  }
0x199: {  	[bflag:$0x3] =	sbarrier.arrive $0xFFFF  }
0x19a: {  	_ =	shalt  }

</sc_bundles>
